<compile_context>
chip_gen: v7x
topology: tpu7x:2x2x1
jax: 0.10.2.dev20260603
libtpu: 0.0.44.dev20260713+nightly
codegen_flags: <defaults>
</compile_context>

<pallas_src>
import functools

import jax
import jax.numpy as jnp
from jax import lax
from jax.experimental import pallas as pl
from jax.experimental.pallas import tpu as pltpu
from jax.experimental.pallas import tpu_sc as plsc

N = 10000
E = 320000
D_IN = 128
D_H = 256
NC, NS = 2, 16
K = 128

E_PT = ((E // NS + K - 1) // K) * K
E_PAD = E_PT * NS
N_H = 10240
NA = N + 16
R0 = 632
R_LAST = N - (NS - 1) * R0

_mesh = plsc.VectorSubcoreMesh(
    core_axis_name="c", subcore_axis_name="s", num_cores=NC, num_subcores=NS)



_HR = N_H // 16
_NW = NC * NS


def _deg_body(col_hbm, deg_hbm, col_v, hist):
    c = lax.axis_index("c")
    s = lax.axis_index("s")
    w = c * NS + s
    e_pw = E_PAD // _NW
    z16 = jnp.zeros((16,), jnp.float32)

    def zero_hist(i, _):
        hist[i, :] = z16
        return 0
    lax.fori_loop(0, _HR, zero_hist, 0)

    pltpu.sync_copy(col_hbm.at[pl.ds(w * e_pw, e_pw)], col_v)
    ones = jnp.ones((16,), jnp.float32)

    def count(i, _):
        idx = col_v[pl.ds(i * 16, 16)]
        plsc.addupdate_scatter(hist, [idx >> 4, idx & 15], ones)
        return 0
    lax.fori_loop(0, e_pw // 16, count, 0)

    pltpu.sync_copy(hist, deg_hbm.at[pl.ds(w * _HR, _HR)])


_deg_call = functools.partial(
    pl.kernel, _deg_body,
    out_type=jax.ShapeDtypeStruct((_NW * _HR, 16), jnp.float32),
    mesh=_mesh,
    compiler_params=pltpu.CompilerParams(needs_layout_passes=False),
    scratch_types=[
        pltpu.VMEM((E_PAD // (NC * NS),), jnp.int32),
        pltpu.VMEM((_HR, 16), jnp.float32),
    ],
)()



def _scatter_body(y_hbm, row_hbm, col_hbm, out_hbm, idxg, idxc, rows_v,
                  acc_sh, sem):
    c = lax.axis_index("c")
    s = lax.axis_index("s")
    @pl.when(s < NS - 1)
    def _init_main():
        pltpu.sync_copy(y_hbm.at[pl.ds(c * N + s * R0, R0)],
                        acc_sh.at[pl.ds(s * R0, R0)])

    @pl.when(s == NS - 1)
    def _init_last():
        pltpu.sync_copy(y_hbm.at[pl.ds(c * N + s * R0, R_LAST)],
                        acc_sh.at[pl.ds(s * R0, R_LAST)])
    plsc.subcore_barrier()

    e0 = s * E_PT

    def step(i, _):
        base = e0 + i * K
        pltpu.sync_copy(row_hbm.at[pl.ds(c * E_PAD + base, K)], idxg)
        pltpu.sync_copy(col_hbm.at[pl.ds(base, K)], idxc)
        pltpu.async_copy(y_hbm.at[idxg], rows_v, sem).wait()
        pltpu.sync_copy(rows_v, acc_sh.at[idxc], add=True)
        return 0
    lax.fori_loop(0, E_PT // K, step, 0)

    plsc.subcore_barrier()

    @pl.when(s < NS - 1)
    def _out_main():
        pltpu.sync_copy(acc_sh.at[pl.ds(s * R0, R0)],
                        out_hbm.at[pl.ds(c * N + s * R0, R0)])

    @pl.when(s == NS - 1)
    def _out_last():
        pltpu.sync_copy(acc_sh.at[pl.ds(s * R0, R_LAST)],
                        out_hbm.at[pl.ds(c * N + s * R0, R_LAST)])


_scatter_call = functools.partial(
    pl.kernel, _scatter_body,
    out_type=jax.ShapeDtypeStruct((NC * N, D_IN), jnp.float32),
    mesh=_mesh,
    compiler_params=pltpu.CompilerParams(needs_layout_passes=False),
    scratch_types=[
        pltpu.VMEM((K,), jnp.int32),
        pltpu.VMEM((K,), jnp.int32),
        pltpu.VMEM((K, D_IN), jnp.float32),
        pltpu.VMEM_SHARED((NA, D_IN), jnp.float32),
        pltpu.SemaphoreType.DMA,
    ],
)()



_MB = 2000


def _stage1_body(x_ref, w_ref, dall_ref, y_ref, dinv_ref):
    dsum = jnp.sum(dall_ref[...], axis=1) + 1.0
    dv = lax.rsqrt(dsum)[:, None]
    dinv_ref[...] = dv
    xw = jnp.dot(x_ref[...], w_ref[...], preferred_element_type=jnp.float32)
    y_ref[...] = xw * dv


def _stage1(x, W1, d_all):
    return pl.pallas_call(
        _stage1_body,
        grid=(N // _MB, NC),
        in_specs=[
            pl.BlockSpec((_MB, D_IN), lambda i, c: (i, 0)),
            pl.BlockSpec((D_IN, D_IN), lambda i, c: (0, c)),
            pl.BlockSpec((_MB, _NW), lambda i, c: (i, 0)),
        ],
        out_specs=[
            pl.BlockSpec((_MB, D_IN), lambda i, c: (c * (N // _MB) + i, 0)),
            pl.BlockSpec((_MB, 1), lambda i, c: (i, 0)),
        ],
        out_shape=[
            jax.ShapeDtypeStruct((NC * N, D_IN), jnp.float32),
            jax.ShapeDtypeStruct((N, 1), jnp.float32),
        ],
    )(x, W1, d_all)


def _stage3_body(s1a_ref, s1b_ref, dv_ref, b1_ref, w2_ref, y_ref):
    dv = dv_ref[...]
    h0 = s1a_ref[...] * dv + b1_ref[0, :D_IN]
    h1 = s1b_ref[...] * dv + b1_ref[0, D_IN:]
    xw = (jnp.dot(h0, w2_ref[:D_IN, :], preferred_element_type=jnp.float32)
          + jnp.dot(h1, w2_ref[D_IN:, :], preferred_element_type=jnp.float32))
    y_ref[...] = xw * dv


def _stage3(S1, dinv, b1, W2):
    nb = N // _MB
    return pl.pallas_call(
        _stage3_body,
        grid=(nb, NC),
        in_specs=[
            pl.BlockSpec((_MB, D_IN), lambda i, c: (i, 0)),
            pl.BlockSpec((_MB, D_IN), lambda i, c: (nb + i, 0)),
            pl.BlockSpec((_MB, 1), lambda i, c: (i, 0)),
            pl.BlockSpec((1, D_H), lambda i, c: (0, 0)),
            pl.BlockSpec((D_H, D_IN), lambda i, c: (0, c)),
        ],
        out_specs=pl.BlockSpec((_MB, D_IN), lambda i, c: (c * nb + i, 0)),
        out_shape=jax.ShapeDtypeStruct((NC * N, D_IN), jnp.float32),
    )(S1, S1, dinv, b1, W2)


def _stage5_body(s2_ref, dv_ref, b2_ref, out_ref):
    out_ref[...] = s2_ref[...] * dv_ref[...] + b2_ref[0, :]


def _stage5(S2, dinv, b2):
    nb = N // _MB
    return pl.pallas_call(
        _stage5_body,
        grid=(nb, NC),
        in_specs=[
            pl.BlockSpec((_MB, D_IN), lambda i, c: (c * nb + i, 0)),
            pl.BlockSpec((_MB, 1), lambda i, c: (i, 0)),
            pl.BlockSpec((1, D_IN), lambda i, c: (0, c)),
        ],
        out_specs=pl.BlockSpec((_MB, D_IN), lambda i, c: (i, c)),
        out_shape=jax.ShapeDtypeStruct((N, D_H), jnp.float32),
    )(S2, dinv, b2)



def kernel(inputs, edge_index, W1, b1, W2, b2):
    row = edge_index[0]
    col = edge_index[1]
    pad = E_PAD - E
    rowp = jnp.concatenate([row, jnp.zeros((pad,), jnp.int32)])
    colp = jnp.concatenate([col, jnp.full((pad,), N, jnp.int32)])
    rowcat = jnp.concatenate([rowp, rowp + N])

    d_all = _deg_call(colp).reshape(_NW, N_H)[:, :N].T

    y1, dinv = _stage1(inputs, W1, d_all)
    S1 = _scatter_call(y1, rowcat, colp)
    y2 = _stage3(S1, dinv, b1.reshape(1, D_H), W2)
    S2 = _scatter_call(y2, rowcat, colp)
    return _stage5(S2, dinv, b2.reshape(1, D_H))

# --- scband reference (transcript-rebuilt; emitter-appended) ---
"""Pipeline reference for scband-gcn-83511344103773 (READ-ONLY COPY).

The authoritative reference and input builder live on the scoring server;
editing this copy changes nothing except your own understanding.
"""

import jax, jax.numpy as jnp
import numpy as np

N = 10000
E = 320000
D_IN = 128
D_H = 256


def setup_inputs(seed: int = 0) -> dict:
    key = jax.random.key(seed)
    ks = jax.random.split(key, 6)
    inputs = jax.random.normal(ks[0], (N, D_IN), dtype=jnp.float32)
    edge_index = jax.random.randint(ks[1], (2, E), 0, N, dtype=jnp.int32)
    W1 = jax.random.normal(ks[2], (D_IN, D_H), dtype=jnp.float32) * 0.05
    b1 = jnp.zeros((D_H,), dtype=jnp.float32)
    W2 = jax.random.normal(ks[3], (D_H, D_H), dtype=jnp.float32) * 0.05
    b2 = jnp.zeros((D_H,), dtype=jnp.float32)
    return {"inputs": inputs, "edge_index": edge_index, "W1": W1, "b1": b1, "W2": W2, "b2": b2}


def gcn_conv(x, edge_index, W, b):
    # PyG GCNConv with normalize=True: add self-loops, symmetric normalization
    row = edge_index[0]
    col = edge_index[1]
    loop = jnp.arange(N, dtype=edge_index.dtype)
    row = jnp.concatenate([row, loop])
    col = jnp.concatenate([col, loop])
    ew = jnp.ones(row.shape[0], dtype=x.dtype)
    deg = jax.ops.segment_sum(ew, col, num_segments=N)
    dinv = jnp.where(deg > 0, jax.lax.rsqrt(deg), 0.0)
    norm = dinv[row] * dinv[col] * ew
    xw = x @ W
    msg = xw[row] * norm[:, None]
    out = jax.ops.segment_sum(msg, col, num_segments=N)
    return out + b


def reference(inputs, edge_index, W1, b1, W2, b2):
    # Forward of GCN (eval mode: dropout is identity; no inter-layer activation in the
    # original forward, only dropout + GCNConv per layer)
    h = inputs
    h = gcn_conv(h, edge_index, W1, b1)
    h = gcn_conv(h, edge_index, W2, b2)
    return h

if __name__ == "__main__":
    import jax
    _d = setup_inputs()
    print(jax.jit(kernel)(*tuple(_d.values())))

</pallas_src>

<mosaic_0001>
#map = affine_map<(d0, d1) -> (0, 0)>
#map1 = affine_map<(d0, d1) -> (0)>
module attributes {stable_mosaic.version = 14 : i64} {
  func.func @_scatter_body(%arg0: i32, %arg1: i32, %arg2: memref<20000x128xf32, #tpu.memory_space<hbm>>, %arg3: memref<643072xi32, #tpu.memory_space<hbm>>, %arg4: memref<321536xi32, #tpu.memory_space<hbm>>, %arg5: memref<20000x128xf32, #tpu.memory_space<hbm>>, %arg6: memref<128xi32, #tpu.memory_space<vmem>>, %arg7: memref<128xi32, #tpu.memory_space<vmem>>, %arg8: memref<128x128xf32, #tpu.memory_space<vmem>>, %arg9: memref<10016x128xf32, #tpu.memory_space<vmem_shared>>, %arg10: memref<!tpu.dma_semaphore, #tpu.memory_space<semaphore_mem>>) attributes {dimension_semantics = [#tpu.dimension_semantics<core_parallel>, #tpu.dimension_semantics<subcore_parallel>], iteration_bounds = array<i64: 2, 16>, scalar_prefetch = 0 : i64, scratch_operands = 5 : i64, tpu.core_type = #tpu.core_type<sc_vector_subcore>, window_params = [{transform_indices = #map}, {transform_indices = #map1}, {transform_indices = #map1}, {transform_indices = #map}]} {
    %lt3A = arith.constant 15 : i32
    %lt3A_0 = arith.cmpi slt, %arg1, %lt3A : i32
    %convert_element_type3A = arith.extui %lt3A_0 : i1 to i32
    %cond3A = arith.constant 0 : i32
    %cond3A_1 = arith.cmpi ne, %convert_element_type3A, %cond3A : i32
    scf.if %cond3A_1 {
      %mul3A_24 = arith.constant 10000 : i32
      %mul3A_25 = arith.muli %arg0, %mul3A_24 : i32
      %mul3A_26 = arith.constant 632 : i32
      %mul3A_27 = arith.muli %arg1, %mul3A_26 : i32
      %add3A = arith.addi %mul3A_25, %mul3A_27 : i32
      %mul3A_28 = arith.constant 632 : i32
      %mul3A_29 = arith.muli %arg1, %mul3A_28 : i32
      "tpu.region"() ({
        %run_scoped3A = tpu.sem_alloc : memref<!tpu.dma_semaphore, #tpu.memory_space<semaphore_mem>>
        %dma_start3A = arith.constant 0 : i32
        %dma_start3A_30 = tpu.memref_slice %arg9[%mul3A_29, %dma_start3A] : memref<10016x128xf32, #tpu.memory_space<vmem_shared>> -> memref<632x128xf32, #tpu.memory_space<vmem_shared>>
        %dma_start3A_31 = arith.constant 0 : i32
        %dma_start3A_32 = tpu.memref_slice %arg2[%add3A, %dma_start3A_31] : memref<20000x128xf32, #tpu.memory_space<hbm>> -> memref<632x128xf32, #tpu.memory_space<hbm>>
        tpu.enqueue_dma source(%dma_start3A_32 : memref<632x128xf32, #tpu.memory_space<hbm>>) target(%dma_start3A_30 : memref<632x128xf32, #tpu.memory_space<vmem_shared>>) target_semaphore(%run_scoped3A : memref<!tpu.dma_semaphore, #tpu.memory_space<semaphore_mem>>)
        %dma_wait3A = arith.constant 0 : i32
        %dma_wait3A_33 = tpu.memref_slice %arg9[%mul3A_29, %dma_wait3A] : memref<10016x128xf32, #tpu.memory_space<vmem_shared>> -> memref<632x128xf32, #tpu.memory_space<vmem_shared>>
        %dma_wait3A_34 = arith.constant 0 : i32
        %dma_wait3A_35 = tpu.memref_slice %arg2[%add3A, %dma_wait3A_34] : memref<20000x128xf32, #tpu.memory_space<hbm>> -> memref<632x128xf32, #tpu.memory_space<hbm>>
        tpu.wait_dma2 semaphore(%run_scoped3A : memref<!tpu.dma_semaphore, #tpu.memory_space<semaphore_mem>>) src(%dma_wait3A_35 : memref<632x128xf32, #tpu.memory_space<hbm>>) dst(%dma_wait3A_33 : memref<632x128xf32, #tpu.memory_space<vmem_shared>>)
        tpu.yield
      }) : () -> ()
    } else {
    }
    %eq3A = arith.constant 15 : i32
    %eq3A_2 = arith.cmpi eq, %arg1, %eq3A : i32
    %convert_element_type3A_3 = arith.extui %eq3A_2 : i1 to i32
    %cond3A_4 = arith.constant 0 : i32
    %cond3A_5 = arith.cmpi ne, %convert_element_type3A_3, %cond3A_4 : i32
    scf.if %cond3A_5 {
      %mul3A_24 = arith.constant 10000 : i32
      %mul3A_25 = arith.muli %arg0, %mul3A_24 : i32
      %mul3A_26 = arith.constant 632 : i32
      %mul3A_27 = arith.muli %arg1, %mul3A_26 : i32
      %add3A = arith.addi %mul3A_25, %mul3A_27 : i32
      %mul3A_28 = arith.constant 632 : i32
      %mul3A_29 = arith.muli %arg1, %mul3A_28 : i32
      "tpu.region"() ({
        %run_scoped3A = tpu.sem_alloc : memref<!tpu.dma_semaphore, #tpu.memory_space<semaphore_mem>>
        %dma_start3A = arith.constant 0 : i32
        %dma_start3A_30 = tpu.memref_slice %arg9[%mul3A_29, %dma_start3A] : memref<10016x128xf32, #tpu.memory_space<vmem_shared>> -> memref<520x128xf32, #tpu.memory_space<vmem_shared>>
        %dma_start3A_31 = arith.constant 0 : i32
        %dma_start3A_32 = tpu.memref_slice %arg2[%add3A, %dma_start3A_31] : memref<20000x128xf32, #tpu.memory_space<hbm>> -> memref<520x128xf32, #tpu.memory_space<hbm>>
        tpu.enqueue_dma source(%dma_start3A_32 : memref<520x128xf32, #tpu.memory_space<hbm>>) target(%dma_start3A_30 : memref<520x128xf32, #tpu.memory_space<vmem_shared>>) target_semaphore(%run_scoped3A : memref<!tpu.dma_semaphore, #tpu.memory_space<semaphore_mem>>)
        %dma_wait3A = arith.constant 0 : i32
        %dma_wait3A_33 = tpu.memref_slice %arg9[%mul3A_29, %dma_wait3A] : memref<10016x128xf32, #tpu.memory_space<vmem_shared>> -> memref<520x128xf32, #tpu.memory_space<vmem_shared>>
        %dma_wait3A_34 = arith.constant 0 : i32
        %dma_wait3A_35 = tpu.memref_slice %arg2[%add3A, %dma_wait3A_34] : memref<20000x128xf32, #tpu.memory_space<hbm>> -> memref<520x128xf32, #tpu.memory_space<hbm>>
        tpu.wait_dma2 semaphore(%run_scoped3A : memref<!tpu.dma_semaphore, #tpu.memory_space<semaphore_mem>>) src(%dma_wait3A_35 : memref<520x128xf32, #tpu.memory_space<hbm>>) dst(%dma_wait3A_33 : memref<520x128xf32, #tpu.memory_space<vmem_shared>>)
        tpu.yield
      }) : () -> ()
    } else {
    }
    %barrier3A = arith.constant 0 : index
    tpu.barrier barrier_id(%barrier3A)
    %mul3A = arith.constant 20096 : i32
    %mul3A_6 = arith.muli %arg1, %mul3A : i32
    %scan3A = arith.constant 0 : i32
    %scan3A_7 = arith.constant 0 : i32
    %scan3A_8 = arith.constant 157 : i32
    %scan3A_9 = arith.addi %scan3A_7, %scan3A_8 : i32
    %scan3A_10 = arith.constant 1 : i32
    %scan3A_11 = scf.for %scan3A_24 = %scan3A_7 to %scan3A_9 step %scan3A_10 iter_args(%scan3A_25 = %scan3A) -> (i32)  : i32 {
      %mul3A_26 = arith.constant 128 : i32
      %mul3A_27 = arith.muli %scan3A_24, %mul3A_26 : i32
      %add3A = arith.addi %mul3A_6, %mul3A_27 : i32
      %mul3A_28 = arith.constant 321536 : i32
      %mul3A_29 = arith.muli %arg0, %mul3A_28 : i32
      %add3A_30 = arith.addi %mul3A_29, %add3A : i32
      "tpu.region"() ({
        %run_scoped3A = tpu.sem_alloc : memref<!tpu.dma_semaphore, #tpu.memory_space<semaphore_mem>>
        %dma_start3A_36 = tpu.memref_slice %arg3[%add3A_30] : memref<643072xi32, #tpu.memory_space<hbm>> -> memref<128xi32, #tpu.memory_space<hbm>>
        %dma_start3A_37 = tpu.memref_slice %arg3[%add3A_30] : memref<643072xi32, #tpu.memory_space<hbm>> -> memref<128xi32, #tpu.memory_space<hbm>>
        tpu.enqueue_dma source(%dma_start3A_37 : memref<128xi32, #tpu.memory_space<hbm>>) target(%arg6 : memref<128xi32, #tpu.memory_space<vmem>>) target_semaphore(%run_scoped3A : memref<!tpu.dma_semaphore, #tpu.memory_space<semaphore_mem>>)
        %dma_wait3A_38 = tpu.memref_slice %arg3[%add3A_30] : memref<643072xi32, #tpu.memory_space<hbm>> -> memref<128xi32, #tpu.memory_space<hbm>>
        %dma_wait3A_39 = tpu.memref_slice %arg3[%add3A_30] : memref<643072xi32, #tpu.memory_space<hbm>> -> memref<128xi32, #tpu.memory_space<hbm>>
        tpu.wait_dma2 semaphore(%run_scoped3A : memref<!tpu.dma_semaphore, #tpu.memory_space<semaphore_mem>>) src(%dma_wait3A_39 : memref<128xi32, #tpu.memory_space<hbm>>) dst(%arg6 : memref<128xi32, #tpu.memory_space<vmem>>)
        tpu.yield
      }) : () -> ()
      "tpu.region"() ({
        %run_scoped3A = tpu.sem_alloc : memref<!tpu.dma_semaphore, #tpu.memory_space<semaphore_mem>>
        %dma_start3A_36 = tpu.memref_slice %arg4[%add3A] : memref<321536xi32, #tpu.memory_space<hbm>> -> memref<128xi32, #tpu.memory_space<hbm>>
        %dma_start3A_37 = tpu.memref_slice %arg4[%add3A] : memref<321536xi32, #tpu.memory_space<hbm>> -> memref<128xi32, #tpu.memory_space<hbm>>
        tpu.enqueue_dma source(%dma_start3A_37 : memref<128xi32, #tpu.memory_space<hbm>>) target(%arg7 : memref<128xi32, #tpu.memory_space<vmem>>) target_semaphore(%run_scoped3A : memref<!tpu.dma_semaphore, #tpu.memory_space<semaphore_mem>>)
        %dma_wait3A_38 = tpu.memref_slice %arg4[%add3A] : memref<321536xi32, #tpu.memory_space<hbm>> -> memref<128xi32, #tpu.memory_space<hbm>>
        %dma_wait3A_39 = tpu.memref_slice %arg4[%add3A] : memref<321536xi32, #tpu.memory_space<hbm>> -> memref<128xi32, #tpu.memory_space<hbm>>
        tpu.wait_dma2 semaphore(%run_scoped3A : memref<!tpu.dma_semaphore, #tpu.memory_space<semaphore_mem>>) src(%dma_wait3A_39 : memref<128xi32, #tpu.memory_space<hbm>>) dst(%arg7 : memref<128xi32, #tpu.memory_space<vmem>>)
        tpu.yield
      }) : () -> ()
      %dma_start3A = arith.constant 0 : i32
      %dma_start3A_31 = arith.constant 0 : i32
      %dma_start3A_32 = tpu.memref_slice %arg2[%dma_start3A, %dma_start3A_31] : memref<20000x128xf32, #tpu.memory_space<hbm>> -> memref<20000x128xf32, #tpu.memory_space<hbm>>
      tpu.enqueue_indirect_dma source(%dma_start3A_32 : memref<20000x128xf32, #tpu.memory_space<hbm>>) target(%arg8 : memref<128x128xf32, #tpu.memory_space<vmem>>) offsets(%arg6 : memref<128xi32, #tpu.memory_space<vmem>>) semaphore(%arg10 : memref<!tpu.dma_semaphore, #tpu.memory_space<semaphore_mem>>)
      %dma_wait3A = arith.constant 0 : i32
      %dma_wait3A_33 = arith.constant 0 : i32
      %dma_wait3A_34 = tpu.memref_slice %arg2[%dma_wait3A, %dma_wait3A_33] : memref<20000x128xf32, #tpu.memory_space<hbm>> -> memref<20000x128xf32, #tpu.memory_space<hbm>>
      tpu.wait_indirect_dma semaphore(%arg10 : memref<!tpu.dma_semaphore, #tpu.memory_space<semaphore_mem>>) src(%dma_wait3A_34 : memref<20000x128xf32, #tpu.memory_space<hbm>>) dst(%arg8 : memref<128x128xf32, #tpu.memory_space<vmem>>)
      "tpu.region"() ({
        %run_scoped3A = tpu.sem_alloc : memref<!tpu.dma_semaphore, #tpu.memory_space<semaphore_mem>>
        %dma_start3A_36 = arith.constant 0 : i32
        %dma_start3A_37 = arith.constant 0 : i32
        %dma_start3A_38 = tpu.memref_slice %arg9[%dma_start3A_36, %dma_start3A_37] : memref<10016x128xf32, #tpu.memory_space<vmem_shared>> -> memref<10016x128xf32, #tpu.memory_space<vmem_shared>>
        tpu.enqueue_indirect_dma source(%arg8 : memref<128x128xf32, #tpu.memory_space<vmem>>) target(%dma_start3A_38 : memref<10016x128xf32, #tpu.memory_space<vmem_shared>>) offsets(%arg7 : memref<128xi32, #tpu.memory_space<vmem>>) semaphore(%run_scoped3A : memref<!tpu.dma_semaphore, #tpu.memory_space<semaphore_mem>>) {add = true}
        %dma_wait3A_39 = arith.constant 0 : i32
        %dma_wait3A_40 = arith.constant 0 : i32
        %dma_wait3A_41 = tpu.memref_slice %arg9[%dma_wait3A_39, %dma_wait3A_40] : memref<10016x128xf32, #tpu.memory_space<vmem_shared>> -> memref<10016x128xf32, #tpu.memory_space<vmem_shared>>
        tpu.wait_indirect_dma semaphore(%run_scoped3A : memref<!tpu.dma_semaphore, #tpu.memory_space<semaphore_mem>>) src(%arg8 : memref<128x128xf32, #tpu.memory_space<vmem>>) dst(%dma_wait3A_41 : memref<10016x128xf32, #tpu.memory_space<vmem_shared>>)
        tpu.yield
      }) : () -> ()
      %scan3A_35 = arith.constant 0 : i32
      scf.yield %scan3A_35 : i32
    }
    %scan3A_12 = arith.constant 157 : i32
    %barrier3A_13 = arith.constant 0 : index
    tpu.barrier barrier_id(%barrier3A_13)
    %lt3A_14 = arith.constant 15 : i32
    %lt3A_15 = arith.cmpi slt, %arg1, %lt3A_14 : i32
    %convert_element_type3A_16 = arith.extui %lt3A_15 : i1 to i32
    %cond3A_17 = arith.constant 0 : i32
    %cond3A_18 = arith.cmpi ne, %convert_element_type3A_16, %cond3A_17 : i32
    scf.if %cond3A_18 {
      %mul3A_24 = arith.constant 632 : i32
      %mul3A_25 = arith.muli %arg1, %mul3A_24 : i32
      %mul3A_26 = arith.constant 10000 : i32
      %mul3A_27 = arith.muli %arg0, %mul3A_26 : i32
      %mul3A_28 = arith.constant 632 : i32
      %mul3A_29 = arith.muli %arg1, %mul3A_28 : i32
      %add3A = arith.addi %mul3A_27, %mul3A_29 : i32
      "tpu.region"() ({
        %run_scoped3A = tpu.sem_alloc : memref<!tpu.dma_semaphore, #tpu.memory_space<semaphore_mem>>
        %dma_start3A = arith.constant 0 : i32
        %dma_start3A_30 = tpu.memref_slice %arg5[%add3A, %dma_start3A] : memref<20000x128xf32, #tpu.memory_space<hbm>> -> memref<632x128xf32, #tpu.memory_space<hbm>>
        %dma_start3A_31 = arith.constant 0 : i32
        %dma_start3A_32 = tpu.memref_slice %arg9[%mul3A_25, %dma_start3A_31] : memref<10016x128xf32, #tpu.memory_space<vmem_shared>> -> memref<632x128xf32, #tpu.memory_space<vmem_shared>>
        tpu.enqueue_dma source(%dma_start3A_32 : memref<632x128xf32, #tpu.memory_space<vmem_shared>>) target(%dma_start3A_30 : memref<632x128xf32, #tpu.memory_space<hbm>>) target_semaphore(%run_scoped3A : memref<!tpu.dma_semaphore, #tpu.memory_space<semaphore_mem>>)
        %dma_wait3A = arith.constant 0 : i32
        %dma_wait3A_33 = tpu.memref_slice %arg5[%add3A, %dma_wait3A] : memref<20000x128xf32, #tpu.memory_space<hbm>> -> memref<632x128xf32, #tpu.memory_space<hbm>>
        %dma_wait3A_34 = arith.constant 0 : i32
        %dma_wait3A_35 = tpu.memref_slice %arg9[%mul3A_25, %dma_wait3A_34] : memref<10016x128xf32, #tpu.memory_space<vmem_shared>> -> memref<632x128xf32, #tpu.memory_space<vmem_shared>>
        tpu.wait_dma2 semaphore(%run_scoped3A : memref<!tpu.dma_semaphore, #tpu.memory_space<semaphore_mem>>) src(%dma_wait3A_35 : memref<632x128xf32, #tpu.memory_space<vmem_shared>>) dst(%dma_wait3A_33 : memref<632x128xf32, #tpu.memory_space<hbm>>)
        tpu.yield
      }) : () -> ()
    } else {
    }
    %eq3A_19 = arith.constant 15 : i32
    %eq3A_20 = arith.cmpi eq, %arg1, %eq3A_19 : i32
    %convert_element_type3A_21 = arith.extui %eq3A_20 : i1 to i32
    %cond3A_22 = arith.constant 0 : i32
    %cond3A_23 = arith.cmpi ne, %convert_element_type3A_21, %cond3A_22 : i32
    scf.if %cond3A_23 {
      %mul3A_24 = arith.constant 632 : i32
      %mul3A_25 = arith.muli %arg1, %mul3A_24 : i32
      %mul3A_26 = arith.constant 10000 : i32
      %mul3A_27 = arith.muli %arg0, %mul3A_26 : i32
      %mul3A_28 = arith.constant 632 : i32
      %mul3A_29 = arith.muli %arg1, %mul3A_28 : i32
      %add3A = arith.addi %mul3A_27, %mul3A_29 : i32
      "tpu.region"() ({
        %run_scoped3A = tpu.sem_alloc : memref<!tpu.dma_semaphore, #tpu.memory_space<semaphore_mem>>
        %dma_start3A = arith.constant 0 : i32
        %dma_start3A_30 = tpu.memref_slice %arg5[%add3A, %dma_start3A] : memref<20000x128xf32, #tpu.memory_space<hbm>> -> memref<520x128xf32, #tpu.memory_space<hbm>>
        %dma_start3A_31 = arith.constant 0 : i32
        %dma_start3A_32 = tpu.memref_slice %arg9[%mul3A_25, %dma_start3A_31] : memref<10016x128xf32, #tpu.memory_space<vmem_shared>> -> memref<520x128xf32, #tpu.memory_space<vmem_shared>>
        tpu.enqueue_dma source(%dma_start3A_32 : memref<520x128xf32, #tpu.memory_space<vmem_shared>>) target(%dma_start3A_30 : memref<520x128xf32, #tpu.memory_space<hbm>>) target_semaphore(%run_scoped3A : memref<!tpu.dma_semaphore, #tpu.memory_space<semaphore_mem>>)
        %dma_wait3A = arith.constant 0 : i32
        %dma_wait3A_33 = tpu.memref_slice %arg5[%add3A, %dma_wait3A] : memref<20000x128xf32, #tpu.memory_space<hbm>> -> memref<520x128xf32, #tpu.memory_space<hbm>>
        %dma_wait3A_34 = arith.constant 0 : i32
        %dma_wait3A_35 = tpu.memref_slice %arg9[%mul3A_25, %dma_wait3A_34] : memref<10016x128xf32, #tpu.memory_space<vmem_shared>> -> memref<520x128xf32, #tpu.memory_space<vmem_shared>>
        tpu.wait_dma2 semaphore(%run_scoped3A : memref<!tpu.dma_semaphore, #tpu.memory_space<semaphore_mem>>) src(%dma_wait3A_35 : memref<520x128xf32, #tpu.memory_space<vmem_shared>>) dst(%dma_wait3A_33 : memref<520x128xf32, #tpu.memory_space<hbm>>)
        tpu.yield
      }) : () -> ()
    } else {
    }
    return
  }
}

#map = affine_map<(d0, d1) -> (0, 0)>
#map1 = affine_map<(d0, d1) -> (0)>
module attributes {stable_mosaic.version = 14 : i64} {
  func.func @_scatter_body(%arg0: i32, %arg1: i32, %arg2: memref<20000x128xf32, #tpu.memory_space<hbm>>, %arg3: memref<643072xi32, #tpu.memory_space<hbm>>, %arg4: memref<321536xi32, #tpu.memory_space<hbm>>, %arg5: memref<20000x128xf32, #tpu.memory_space<hbm>>, %arg6: memref<128xi32, #tpu.memory_space<vmem>>, %arg7: memref<128xi32, #tpu.memory_space<vmem>>, %arg8: memref<128x128xf32, #tpu.memory_space<vmem>>, %arg9: memref<10016x128xf32, #tpu.memory_space<vmem_shared>>, %arg10: memref<!tpu.dma_semaphore, #tpu.memory_space<semaphore_mem>>) attributes {dimension_semantics = [#tpu.dimension_semantics<core_parallel>, #tpu.dimension_semantics<subcore_parallel>], iteration_bounds = array<i64: 2, 16>, scalar_prefetch = 0 : i64, scratch_operands = 5 : i64, tpu.core_type = #tpu.core_type<sc_vector_subcore>, window_params = [{transform_indices = #map}, {transform_indices = #map1}, {transform_indices = #map1}, {transform_indices = #map}]} {
    %lt3A = arith.constant 15 : i32
    %lt3A_0 = arith.cmpi slt, %arg1, %lt3A : i32
    %convert_element_type3A = arith.extui %lt3A_0 : i1 to i32
    %cond3A = arith.constant 0 : i32
    %cond3A_1 = arith.cmpi ne, %convert_element_type3A, %cond3A : i32
    scf.if %cond3A_1 {
      %mul3A_24 = arith.constant 10000 : i32
      %mul3A_25 = arith.muli %arg0, %mul3A_24 : i32
      %mul3A_26 = arith.constant 632 : i32
      %mul3A_27 = arith.muli %arg1, %mul3A_26 : i32
      %add3A = arith.addi %mul3A_25, %mul3A_27 : i32
      %mul3A_28 = arith.constant 632 : i32
      %mul3A_29 = arith.muli %arg1, %mul3A_28 : i32
      "tpu.region"() ({
        %run_scoped3A = tpu.sem_alloc : memref<!tpu.dma_semaphore, #tpu.memory_space<semaphore_mem>>
        %dma_start3A = arith.constant 0 : i32
        %dma_start3A_30 = tpu.memref_slice %arg9[%mul3A_29, %dma_start3A] : memref<10016x128xf32, #tpu.memory_space<vmem_shared>> -> memref<632x128xf32, #tpu.memory_space<vmem_shared>>
        %dma_start3A_31 = arith.constant 0 : i32
        %dma_start3A_32 = tpu.memref_slice %arg2[%add3A, %dma_start3A_31] : memref<20000x128xf32, #tpu.memory_space<hbm>> -> memref<632x128xf32, #tpu.memory_space<hbm>>
        tpu.enqueue_dma source(%dma_start3A_32 : memref<632x128xf32, #tpu.memory_space<hbm>>) target(%dma_start3A_30 : memref<632x128xf32, #tpu.memory_space<vmem_shared>>) target_semaphore(%run_scoped3A : memref<!tpu.dma_semaphore, #tpu.memory_space<semaphore_mem>>)
        %dma_wait3A = arith.constant 0 : i32
        %dma_wait3A_33 = tpu.memref_slice %arg9[%mul3A_29, %dma_wait3A] : memref<10016x128xf32, #tpu.memory_space<vmem_shared>> -> memref<632x128xf32, #tpu.memory_space<vmem_shared>>
        %dma_wait3A_34 = arith.constant 0 : i32
        %dma_wait3A_35 = tpu.memref_slice %arg2[%add3A, %dma_wait3A_34] : memref<20000x128xf32, #tpu.memory_space<hbm>> -> memref<632x128xf32, #tpu.memory_space<hbm>>
        tpu.wait_dma2 semaphore(%run_scoped3A : memref<!tpu.dma_semaphore, #tpu.memory_space<semaphore_mem>>) src(%dma_wait3A_35 : memref<632x128xf32, #tpu.memory_space<hbm>>) dst(%dma_wait3A_33 : memref<632x128xf32, #tpu.memory_space<vmem_shared>>)
        tpu.yield
      }) : () -> ()
    } else {
    }
    %eq3A = arith.constant 15 : i32
    %eq3A_2 = arith.cmpi eq, %arg1, %eq3A : i32
    %convert_element_type3A_3 = arith.extui %eq3A_2 : i1 to i32
    %cond3A_4 = arith.constant 0 : i32
    %cond3A_5 = arith.cmpi ne, %convert_element_type3A_3, %cond3A_4 : i32
    scf.if %cond3A_5 {
      %mul3A_24 = arith.constant 10000 : i32
      %mul3A_25 = arith.muli %arg0, %mul3A_24 : i32
      %mul3A_26 = arith.constant 632 : i32
      %mul3A_27 = arith.muli %arg1, %mul3A_26 : i32
      %add3A = arith.addi %mul3A_25, %mul3A_27 : i32
      %mul3A_28 = arith.constant 632 : i32
      %mul3A_29 = arith.muli %arg1, %mul3A_28 : i32
      "tpu.region"() ({
        %run_scoped3A = tpu.sem_alloc : memref<!tpu.dma_semaphore, #tpu.memory_space<semaphore_mem>>
        %dma_start3A = arith.constant 0 : i32
        %dma_start3A_30 = tpu.memref_slice %arg9[%mul3A_29, %dma_start3A] : memref<10016x128xf32, #tpu.memory_space<vmem_shared>> -> memref<520x128xf32, #tpu.memory_space<vmem_shared>>
        %dma_start3A_31 = arith.constant 0 : i32
        %dma_start3A_32 = tpu.memref_slice %arg2[%add3A, %dma_start3A_31] : memref<20000x128xf32, #tpu.memory_space<hbm>> -> memref<520x128xf32, #tpu.memory_space<hbm>>
        tpu.enqueue_dma source(%dma_start3A_32 : memref<520x128xf32, #tpu.memory_space<hbm>>) target(%dma_start3A_30 : memref<520x128xf32, #tpu.memory_space<vmem_shared>>) target_semaphore(%run_scoped3A : memref<!tpu.dma_semaphore, #tpu.memory_space<semaphore_mem>>)
        %dma_wait3A = arith.constant 0 : i32
        %dma_wait3A_33 = tpu.memref_slice %arg9[%mul3A_29, %dma_wait3A] : memref<10016x128xf32, #tpu.memory_space<vmem_shared>> -> memref<520x128xf32, #tpu.memory_space<vmem_shared>>
        %dma_wait3A_34 = arith.constant 0 : i32
        %dma_wait3A_35 = tpu.memref_slice %arg2[%add3A, %dma_wait3A_34] : memref<20000x128xf32, #tpu.memory_space<hbm>> -> memref<520x128xf32, #tpu.memory_space<hbm>>
        tpu.wait_dma2 semaphore(%run_scoped3A : memref<!tpu.dma_semaphore, #tpu.memory_space<semaphore_mem>>) src(%dma_wait3A_35 : memref<520x128xf32, #tpu.memory_space<hbm>>) dst(%dma_wait3A_33 : memref<520x128xf32, #tpu.memory_space<vmem_shared>>)
        tpu.yield
      }) : () -> ()
    } else {
    }
    %barrier3A = arith.constant 0 : index
    tpu.barrier barrier_id(%barrier3A)
    %mul3A = arith.constant 20096 : i32
    %mul3A_6 = arith.muli %arg1, %mul3A : i32
    %scan3A = arith.constant 0 : i32
    %scan3A_7 = arith.constant 0 : i32
    %scan3A_8 = arith.constant 157 : i32
    %scan3A_9 = arith.addi %scan3A_7, %scan3A_8 : i32
    %scan3A_10 = arith.constant 1 : i32
    %scan3A_11 = scf.for %scan3A_24 = %scan3A_7 to %scan3A_9 step %scan3A_10 iter_args(%scan3A_25 = %scan3A) -> (i32)  : i32 {
      %mul3A_26 = arith.constant 128 : i32
      %mul3A_27 = arith.muli %scan3A_24, %mul3A_26 : i32
      %add3A = arith.addi %mul3A_6, %mul3A_27 : i32
      %mul3A_28 = arith.constant 321536 : i32
      %mul3A_29 = arith.muli %arg0, %mul3A_28 : i32
      %add3A_30 = arith.addi %mul3A_29, %add3A : i32
      "tpu.region"() ({
        %run_scoped3A = tpu.sem_alloc : memref<!tpu.dma_semaphore, #tpu.memory_space<semaphore_mem>>
        %dma_start3A_36 = tpu.memref_slice %arg3[%add3A_30] : memref<643072xi32, #tpu.memory_space<hbm>> -> memref<128xi32, #tpu.memory_space<hbm>>
        %dma_start3A_37 = tpu.memref_slice %arg3[%add3A_30] : memref<643072xi32, #tpu.memory_space<hbm>> -> memref<128xi32, #tpu.memory_space<hbm>>
        tpu.enqueue_dma source(%dma_start3A_37 : memref<128xi32, #tpu.memory_space<hbm>>) target(%arg6 : memref<128xi32, #tpu.memory_space<vmem>>) target_semaphore(%run_scoped3A : memref<!tpu.dma_semaphore, #tpu.memory_space<semaphore_mem>>)
        %dma_wait3A_38 = tpu.memref_slice %arg3[%add3A_30] : memref<643072xi32, #tpu.memory_space<hbm>> -> memref<128xi32, #tpu.memory_space<hbm>>
        %dma_wait3A_39 = tpu.memref_slice %arg3[%add3A_30] : memref<643072xi32, #tpu.memory_space<hbm>> -> memref<128xi32, #tpu.memory_space<hbm>>
        tpu.wait_dma2 semaphore(%run_scoped3A : memref<!tpu.dma_semaphore, #tpu.memory_space<semaphore_mem>>) src(%dma_wait3A_39 : memref<128xi32, #tpu.memory_space<hbm>>) dst(%arg6 : memref<128xi32, #tpu.memory_space<vmem>>)
        tpu.yield
      }) : () -> ()
      "tpu.region"() ({
        %run_scoped3A = tpu.sem_alloc : memref<!tpu.dma_semaphore, #tpu.memory_space<semaphore_mem>>
        %dma_start3A_36 = tpu.memref_slice %arg4[%add3A] : memref<321536xi32, #tpu.memory_space<hbm>> -> memref<128xi32, #tpu.memory_space<hbm>>
        %dma_start3A_37 = tpu.memref_slice %arg4[%add3A] : memref<321536xi32, #tpu.memory_space<hbm>> -> memref<128xi32, #tpu.memory_space<hbm>>
        tpu.enqueue_dma source(%dma_start3A_37 : memref<128xi32, #tpu.memory_space<hbm>>) target(%arg7 : memref<128xi32, #tpu.memory_space<vmem>>) target_semaphore(%run_scoped3A : memref<!tpu.dma_semaphore, #tpu.memory_space<semaphore_mem>>)
        %dma_wait3A_38 = tpu.memref_slice %arg4[%add3A] : memref<321536xi32, #tpu.memory_space<hbm>> -> memref<128xi32, #tpu.memory_space<hbm>>
        %dma_wait3A_39 = tpu.memref_slice %arg4[%add3A] : memref<321536xi32, #tpu.memory_space<hbm>> -> memref<128xi32, #tpu.memory_space<hbm>>
        tpu.wait_dma2 semaphore(%run_scoped3A : memref<!tpu.dma_semaphore, #tpu.memory_space<semaphore_mem>>) src(%dma_wait3A_39 : memref<128xi32, #tpu.memory_space<hbm>>) dst(%arg7 : memref<128xi32, #tpu.memory_space<vmem>>)
        tpu.yield
      }) : () -> ()
      %dma_start3A = arith.constant 0 : i32
      %dma_start3A_31 = arith.constant 0 : i32
      %dma_start3A_32 = tpu.memref_slice %arg2[%dma_start3A, %dma_start3A_31] : memref<20000x128xf32, #tpu.memory_space<hbm>> -> memref<20000x128xf32, #tpu.memory_space<hbm>>
      tpu.enqueue_indirect_dma source(%dma_start3A_32 : memref<20000x128xf32, #tpu.memory_space<hbm>>) target(%arg8 : memref<128x128xf32, #tpu.memory_space<vmem>>) offsets(%arg6 : memref<128xi32, #tpu.memory_space<vmem>>) semaphore(%arg10 : memref<!tpu.dma_semaphore, #tpu.memory_space<semaphore_mem>>)
      %dma_wait3A = arith.constant 0 : i32
      %dma_wait3A_33 = arith.constant 0 : i32
      %dma_wait3A_34 = tpu.memref_slice %arg2[%dma_wait3A, %dma_wait3A_33] : memref<20000x128xf32, #tpu.memory_space<hbm>> -> memref<20000x128xf32, #tpu.memory_space<hbm>>
      tpu.wait_indirect_dma semaphore(%arg10 : memref<!tpu.dma_semaphore, #tpu.memory_space<semaphore_mem>>) src(%dma_wait3A_34 : memref<20000x128xf32, #tpu.memory_space<hbm>>) dst(%arg8 : memref<128x128xf32, #tpu.memory_space<vmem>>)
      "tpu.region"() ({
        %run_scoped3A = tpu.sem_alloc : memref<!tpu.dma_semaphore, #tpu.memory_space<semaphore_mem>>
        %dma_start3A_36 = arith.constant 0 : i32
        %dma_start3A_37 = arith.constant 0 : i32
        %dma_start3A_38 = tpu.memref_slice %arg9[%dma_start3A_36, %dma_start3A_37] : memref<10016x128xf32, #tpu.memory_space<vmem_shared>> -> memref<10016x128xf32, #tpu.memory_space<vmem_shared>>
        tpu.enqueue_indirect_dma source(%arg8 : memref<128x128xf32, #tpu.memory_space<vmem>>) target(%dma_start3A_38 : memref<10016x128xf32, #tpu.memory_space<vmem_shared>>) offsets(%arg7 : memref<128xi32, #tpu.memory_space<vmem>>) semaphore(%run_scoped3A : memref<!tpu.dma_semaphore, #tpu.memory_space<semaphore_mem>>) {add = true}
        %dma_wait3A_39 = arith.constant 0 : i32
        %dma_wait3A_40 = arith.constant 0 : i32
        %dma_wait3A_41 = tpu.memref_slice %arg9[%dma_wait3A_39, %dma_wait3A_40] : memref<10016x128xf32, #tpu.memory_space<vmem_shared>> -> memref<10016x128xf32, #tpu.memory_space<vmem_shared>>
        tpu.wait_indirect_dma semaphore(%run_scoped3A : memref<!tpu.dma_semaphore, #tpu.memory_space<semaphore_mem>>) src(%arg8 : memref<128x128xf32, #tpu.memory_space<vmem>>) dst(%dma_wait3A_41 : memref<10016x128xf32, #tpu.memory_space<vmem_shared>>)
        tpu.yield
      }) : () -> ()
      %scan3A_35 = arith.constant 0 : i32
      scf.yield %scan3A_35 : i32
    }
    %scan3A_12 = arith.constant 157 : i32
    %barrier3A_13 = arith.constant 0 : index
    tpu.barrier barrier_id(%barrier3A_13)
    %lt3A_14 = arith.constant 15 : i32
    %lt3A_15 = arith.cmpi slt, %arg1, %lt3A_14 : i32
    %convert_element_type3A_16 = arith.extui %lt3A_15 : i1 to i32
    %cond3A_17 = arith.constant 0 : i32
    %cond3A_18 = arith.cmpi ne, %convert_element_type3A_16, %cond3A_17 : i32
    scf.if %cond3A_18 {
      %mul3A_24 = arith.constant 632 : i32
      %mul3A_25 = arith.muli %arg1, %mul3A_24 : i32
      %mul3A_26 = arith.constant 10000 : i32
      %mul3A_27 = arith.muli %arg0, %mul3A_26 : i32
      %mul3A_28 = arith.constant 632 : i32
      %mul3A_29 = arith.muli %arg1, %mul3A_28 : i32
      %add3A = arith.addi %mul3A_27, %mul3A_29 : i32
      "tpu.region"() ({
        %run_scoped3A = tpu.sem_alloc : memref<!tpu.dma_semaphore, #tpu.memory_space<semaphore_mem>>
        %dma_start3A = arith.constant 0 : i32
        %dma_start3A_30 = tpu.memref_slice %arg5[%add3A, %dma_start3A] : memref<20000x128xf32, #tpu.memory_space<hbm>> -> memref<632x128xf32, #tpu.memory_space<hbm>>
        %dma_start3A_31 = arith.constant 0 : i32
        %dma_start3A_32 = tpu.memref_slice %arg9[%mul3A_25, %dma_start3A_31] : memref<10016x128xf32, #tpu.memory_space<vmem_shared>> -> memref<632x128xf32, #tpu.memory_space<vmem_shared>>
        tpu.enqueue_dma source(%dma_start3A_32 : memref<632x128xf32, #tpu.memory_space<vmem_shared>>) target(%dma_start3A_30 : memref<632x128xf32, #tpu.memory_space<hbm>>) target_semaphore(%run_scoped3A : memref<!tpu.dma_semaphore, #tpu.memory_space<semaphore_mem>>)
        %dma_wait3A = arith.constant 0 : i32
        %dma_wait3A_33 = tpu.memref_slice %arg5[%add3A, %dma_wait3A] : memref<20000x128xf32, #tpu.memory_space<hbm>> -> memref<632x128xf32, #tpu.memory_space<hbm>>
        %dma_wait3A_34 = arith.constant 0 : i32
        %dma_wait3A_35 = tpu.memref_slice %arg9[%mul3A_25, %dma_wait3A_34] : memref<10016x128xf32, #tpu.memory_space<vmem_shared>> -> memref<632x128xf32, #tpu.memory_space<vmem_shared>>
        tpu.wait_dma2 semaphore(%run_scoped3A : memref<!tpu.dma_semaphore, #tpu.memory_space<semaphore_mem>>) src(%dma_wait3A_35 : memref<632x128xf32, #tpu.memory_space<vmem_shared>>) dst(%dma_wait3A_33 : memref<632x128xf32, #tpu.memory_space<hbm>>)
        tpu.yield
      }) : () -> ()
    } else {
    }
    %eq3A_19 = arith.constant 15 : i32
    %eq3A_20 = arith.cmpi eq, %arg1, %eq3A_19 : i32
    %convert_element_type3A_21 = arith.extui %eq3A_20 : i1 to i32
    %cond3A_22 = arith.constant 0 : i32
    %cond3A_23 = arith.cmpi ne, %convert_element_type3A_21, %cond3A_22 : i32
    scf.if %cond3A_23 {
      %mul3A_24 = arith.constant 632 : i32
      %mul3A_25 = arith.muli %arg1, %mul3A_24 : i32
      %mul3A_26 = arith.constant 10000 : i32
      %mul3A_27 = arith.muli %arg0, %mul3A_26 : i32
      %mul3A_28 = arith.constant 632 : i32
      %mul3A_29 = arith.muli %arg1, %mul3A_28 : i32
      %add3A = arith.addi %mul3A_27, %mul3A_29 : i32
      "tpu.region"() ({
        %run_scoped3A = tpu.sem_alloc : memref<!tpu.dma_semaphore, #tpu.memory_space<semaphore_mem>>
        %dma_start3A = arith.constant 0 : i32
        %dma_start3A_30 = tpu.memref_slice %arg5[%add3A, %dma_start3A] : memref<20000x128xf32, #tpu.memory_space<hbm>> -> memref<520x128xf32, #tpu.memory_space<hbm>>
        %dma_start3A_31 = arith.constant 0 : i32
        %dma_start3A_32 = tpu.memref_slice %arg9[%mul3A_25, %dma_start3A_31] : memref<10016x128xf32, #tpu.memory_space<vmem_shared>> -> memref<520x128xf32, #tpu.memory_space<vmem_shared>>
        tpu.enqueue_dma source(%dma_start3A_32 : memref<520x128xf32, #tpu.memory_space<vmem_shared>>) target(%dma_start3A_30 : memref<520x128xf32, #tpu.memory_space<hbm>>) target_semaphore(%run_scoped3A : memref<!tpu.dma_semaphore, #tpu.memory_space<semaphore_mem>>)
        %dma_wait3A = arith.constant 0 : i32
        %dma_wait3A_33 = tpu.memref_slice %arg5[%add3A, %dma_wait3A] : memref<20000x128xf32, #tpu.memory_space<hbm>> -> memref<520x128xf32, #tpu.memory_space<hbm>>
        %dma_wait3A_34 = arith.constant 0 : i32
        %dma_wait3A_35 = tpu.memref_slice %arg9[%mul3A_25, %dma_wait3A_34] : memref<10016x128xf32, #tpu.memory_space<vmem_shared>> -> memref<520x128xf32, #tpu.memory_space<vmem_shared>>
        tpu.wait_dma2 semaphore(%run_scoped3A : memref<!tpu.dma_semaphore, #tpu.memory_space<semaphore_mem>>) src(%dma_wait3A_35 : memref<520x128xf32, #tpu.memory_space<vmem_shared>>) dst(%dma_wait3A_33 : memref<520x128xf32, #tpu.memory_space<hbm>>)
        tpu.yield
      }) : () -> ()
    } else {
    }
    return
  }
}

#map = affine_map<(d0, d1) -> (0)>
#map1 = affine_map<(d0, d1) -> (0, 0)>
module attributes {stable_mosaic.version = 14 : i64} {
  func.func @_deg_body(%arg0: i32, %arg1: i32, %arg2: memref<321536xi32, #tpu.memory_space<hbm>>, %arg3: memref<20480x16xf32, #tpu.memory_space<hbm>>, %arg4: memref<10048xi32, #tpu.memory_space<vmem>>, %arg5: memref<640x16xf32, #tpu.memory_space<vmem>>) attributes {dimension_semantics = [#tpu.dimension_semantics<core_parallel>, #tpu.dimension_semantics<subcore_parallel>], iteration_bounds = array<i64: 2, 16>, scalar_prefetch = 0 : i64, scratch_operands = 2 : i64, tpu.core_type = #tpu.core_type<sc_vector_subcore>, window_params = [{transform_indices = #map}, {transform_indices = #map1}]} {
    %mul3A = arith.constant 16 : i32
    %mul3A_0 = arith.muli %arg0, %mul3A : i32
    %add3A = arith.addi %mul3A_0, %arg1 : i32
    %broadcast_in_dim3A = arith.constant 0.000000e+00 : f32
    %broadcast_in_dim3A_1 = vector.broadcast %broadcast_in_dim3A : f32 to vector<16xf32>
    %scan3A = arith.constant 0 : i32
    %scan3A_2 = arith.constant 0 : i32
    %scan3A_3 = arith.constant 640 : i32
    %scan3A_4 = arith.addi %scan3A_2, %scan3A_3 : i32
    %scan3A_5 = arith.constant 1 : i32
    %scan3A_6 = scf.for %scan3A_21 = %scan3A_2 to %scan3A_4 step %scan3A_5 iter_args(%scan3A_22 = %scan3A) -> (i32)  : i32 {
      %swap3A = arith.index_cast %scan3A_21 : i32 to index
      %swap3A_23 = arith.constant 0 : index
      %swap3A_24 = tpu.vector_load %arg5[%swap3A, %swap3A_23] {strides = array<i32>} : memref<640x16xf32, #tpu.memory_space<vmem>>, vector<16xf32>,
      tpu.vector_store %arg5[%swap3A, %swap3A_23], %broadcast_in_dim3A_1 {strides = array<i32>} : memref<640x16xf32, #tpu.memory_space<vmem>>, vector<16xf32>,
      %scan3A_25 = arith.constant 0 : i32
      scf.yield %scan3A_25 : i32
    }
    %scan3A_7 = arith.constant 640 : i32
    %mul3A_8 = arith.constant 10048 : i32
    %mul3A_9 = arith.muli %add3A, %mul3A_8 : i32
    "tpu.region"() ({
      %run_scoped3A = tpu.sem_alloc : memref<!tpu.dma_semaphore, #tpu.memory_space<semaphore_mem>>
      %dma_start3A = tpu.memref_slice %arg2[%mul3A_9] : memref<321536xi32, #tpu.memory_space<hbm>> -> memref<10048xi32, #tpu.memory_space<hbm>>
      %dma_start3A_21 = tpu.memref_slice %arg2[%mul3A_9] : memref<321536xi32, #tpu.memory_space<hbm>> -> memref<10048xi32, #tpu.memory_space<hbm>>
      tpu.enqueue_dma source(%dma_start3A_21 : memref<10048xi32, #tpu.memory_space<hbm>>) target(%arg4 : memref<10048xi32, #tpu.memory_space<vmem>>) target_semaphore(%run_scoped3A : memref<!tpu.dma_semaphore, #tpu.memory_space<semaphore_mem>>)
      %dma_wait3A = tpu.memref_slice %arg2[%mul3A_9] : memref<321536xi32, #tpu.memory_space<hbm>> -> memref<10048xi32, #tpu.memory_space<hbm>>
      %dma_wait3A_22 = tpu.memref_slice %arg2[%mul3A_9] : memref<321536xi32, #tpu.memory_space<hbm>> -> memref<10048xi32, #tpu.memory_space<hbm>>
      tpu.wait_dma2 semaphore(%run_scoped3A : memref<!tpu.dma_semaphore, #tpu.memory_space<semaphore_mem>>) src(%dma_wait3A_22 : memref<10048xi32, #tpu.memory_space<hbm>>) dst(%arg4 : memref<10048xi32, #tpu.memory_space<vmem>>)
      tpu.yield
    }) : () -> ()
    %broadcast_in_dim3A_10 = arith.constant 1.000000e+00 : f32
    %broadcast_in_dim3A_11 = vector.broadcast %broadcast_in_dim3A_10 : f32 to vector<16xf32>
    %scan3A_12 = arith.constant 0 : i32
    %scan3A_13 = arith.constant 0 : i32
    %scan3A_14 = arith.constant 628 : i32
    %scan3A_15 = arith.addi %scan3A_13, %scan3A_14 : i32
    %scan3A_16 = arith.constant 1 : i32
    %scan3A_17 = scf.for %scan3A_21 = %scan3A_13 to %scan3A_15 step %scan3A_16 iter_args(%scan3A_22 = %scan3A_12) -> (i32)  : i32 {
      %mul3A_23 = arith.constant 16 : i32
      %mul3A_24 = arith.muli %scan3A_21, %mul3A_23 : i32
      %get3A = arith.index_cast %mul3A_24 : i32 to index
      %get3A_25 = tpu.vector_load %arg4[%get3A] {strides = array<i32>} : memref<10048xi32, #tpu.memory_space<vmem>>, vector<16xi32>,
      %shift_right_arithmetic3A = arith.constant 4 : i32
      %shift_right_arithmetic3A_26 = vector.broadcast %shift_right_arithmetic3A : i32 to vector<16xi32>
      %shift_right_arithmetic3A_27 = arith.shrsi %get3A_25, %shift_right_arithmetic3A_26 : vector<16xi32>
      %and3A = arith.constant 15 : i32
      %and3A_28 = vector.broadcast %and3A : i32 to vector<16xi32>
      %and3A_29 = arith.andi %get3A_25, %and3A_28 : vector<16xi32>
      tpu.vector_store_idx %arg5[%shift_right_arithmetic3A_27, %and3A_29], %broadcast_in_dim3A_11 {add = true} : memref<640x16xf32, #tpu.memory_space<vmem>>[vector<16xi32>, vector<16xi32>], vector<16xf32>,
      %scan3A_30 = arith.constant 0 : i32
      scf.yield %scan3A_30 : i32
    }
    %scan3A_18 = arith.constant 628 : i32
    %mul3A_19 = arith.constant 640 : i32
    %mul3A_20 = arith.muli %add3A, %mul3A_19 : i32
    "tpu.region"() ({
      %run_scoped3A = tpu.sem_alloc : memref<!tpu.dma_semaphore, #tpu.memory_space<semaphore_mem>>
      %dma_start3A = arith.constant 0 : i32
      %dma_start3A_21 = tpu.memref_slice %arg3[%mul3A_20, %dma_start3A] : memref<20480x16xf32, #tpu.memory_space<hbm>> -> memref<640x16xf32, #tpu.memory_space<hbm>>
      %dma_start3A_22 = arith.constant 0 : i32
      %dma_start3A_23 = tpu.memref_slice %arg3[%mul3A_20, %dma_start3A_22] : memref<20480x16xf32, #tpu.memory_space<hbm>> -> memref<640x16xf32, #tpu.memory_space<hbm>>
      tpu.enqueue_dma source(%arg5 : memref<640x16xf32, #tpu.memory_space<vmem>>) target(%dma_start3A_23 : memref<640x16xf32, #tpu.memory_space<hbm>>) target_semaphore(%run_scoped3A : memref<!tpu.dma_semaphore, #tpu.memory_space<semaphore_mem>>)
      %dma_wait3A = arith.constant 0 : i32
      %dma_wait3A_24 = tpu.memref_slice %arg3[%mul3A_20, %dma_wait3A] : memref<20480x16xf32, #tpu.memory_space<hbm>> -> memref<640x16xf32, #tpu.memory_space<hbm>>
      %dma_wait3A_25 = arith.constant 0 : i32
      %dma_wait3A_26 = tpu.memref_slice %arg3[%mul3A_20, %dma_wait3A_25] : memref<20480x16xf32, #tpu.memory_space<hbm>> -> memref<640x16xf32, #tpu.memory_space<hbm>>
      tpu.wait_dma2 semaphore(%run_scoped3A : memref<!tpu.dma_semaphore, #tpu.memory_space<semaphore_mem>>) src(%arg5 : memref<640x16xf32, #tpu.memory_space<vmem>>) dst(%dma_wait3A_26 : memref<640x16xf32, #tpu.memory_space<hbm>>)
      tpu.yield
    }) : () -> ()
    return
  }
}

module attributes {stable_mosaic.version = 14 : i64} {
  func.func @_stage1_body(%arg0: i32, %arg1: i32, %arg2: memref<2000x128xf32, #tpu.memory_space<vmem>>, %arg3: memref<128x128xf32, #tpu.memory_space<vmem>>, %arg4: memref<2000x32xf32, #tpu.memory_space<vmem>>, %arg5: memref<2000x128xf32, #tpu.memory_space<vmem>>, %arg6: memref<2000x1xf32, #tpu.memory_space<vmem>>) attributes {dimension_semantics = [#tpu.dimension_semantics<arbitrary>, #tpu.dimension_semantics<arbitrary>], iteration_bounds = array<i64: 5, 2>, scalar_prefetch = 0 : i64, scratch_operands = 0 : i64, tpu.core_type = #tpu.core_type<tc>, window_params = [{transform_indices = @transform_0, window_bounds = array<i64: 2000, 128>}, {transform_indices = @transform_1, window_bounds = array<i64: 128, 128>}, {transform_indices = @transform_2, window_bounds = array<i64: 2000, 32>}, {transform_indices = @transform_3, window_bounds = array<i64: 2000, 128>}, {transform_indices = @transform_4, window_bounds = array<i64: 2000, 1>}]} {
    %get3A = arith.constant 0 : index
    %get3A_0 = arith.constant 0 : index
    %get3A_1 = vector.load %arg4[%get3A, %get3A_0] : memref<2000x32xf32, #tpu.memory_space<vmem>>, vector<2000x32xf32>
    %reduce_sum3A = arith.constant dense<0.000000e+00> : vector<2000xf32>
    %reduce_sum3A_2 = vector.multi_reduction <add>, %get3A_1, %reduce_sum3A [1] : vector<2000x32xf32> to vector<2000xf32>
    %add3A = arith.constant 1.000000e+00 : f32
    %add3A_3 = vector.broadcast %add3A : f32 to vector<2000xf32>
    %add3A_4 = arith.addf %reduce_sum3A_2, %add3A_3 : vector<2000xf32>
    %rsqrt3A = math.rsqrt %add3A_4 : vector<2000xf32>
    %broadcast_in_dim3A = vector.shape_cast %rsqrt3A : vector<2000xf32> to vector<2000x1xf32>
    %swap3A = arith.constant 0 : index
    %swap3A_5 = arith.constant 0 : index
    %swap3A_6 = vector.load %arg6[%swap3A, %swap3A_5] : memref<2000x1xf32, #tpu.memory_space<vmem>>, vector<2000x1xf32>
    tpu.vector_store %arg6[%swap3A, %swap3A_5], %broadcast_in_dim3A {strides = array<i32>} : memref<2000x1xf32, #tpu.memory_space<vmem>>, vector<2000x1xf32>,
    %get3A_7 = arith.constant 0 : index
    %get3A_8 = arith.constant 0 : index
    %get3A_9 = vector.load %arg2[%get3A_7, %get3A_8] : memref<2000x128xf32, #tpu.memory_space<vmem>>, vector<2000x128xf32>
    %get3A_10 = arith.constant 0 : index
    %get3A_11 = arith.constant 0 : index
    %get3A_12 = vector.load %arg3[%get3A_10, %get3A_11] : memref<128x128xf32, #tpu.memory_space<vmem>>, vector<128x128xf32>
    %dot_general3A = arith.constant dense<0.000000e+00> : vector<2000x128xf32>
    %dot_general3A_13 = tpu.matmul %get3A_9, %get3A_12, %dot_general3A {dimension_numbers = #tpu.dot_dimension_numbers<[1], [0], [0], [1], [0, 0, 1, 1], [], []>, transpose_lhs_hint = false} : vector<2000x128xf32>, vector<128x128xf32>, vector<2000x128xf32> -> vector<2000x128xf32>
    %mul3A = vector.broadcast %broadcast_in_dim3A : vector<2000x1xf32> to vector<2000x128xf32>
    %mul3A_14 = arith.mulf %dot_general3A_13, %mul3A : vector<2000x128xf32>
    %swap3A_15 = arith.constant 0 : index
    %swap3A_16 = arith.constant 0 : index
    %swap3A_17 = vector.load %arg5[%swap3A_15, %swap3A_16] : memref<2000x128xf32, #tpu.memory_space<vmem>>, vector<2000x128xf32>
    tpu.vector_store %arg5[%swap3A_15, %swap3A_16], %mul3A_14 {strides = array<i32>} : memref<2000x128xf32, #tpu.memory_space<vmem>>, vector<2000x128xf32>,
    return
  }
  func.func @transform_0(%arg0: i32, %arg1: i32) -> (i32, i32) {
    %c0_i32 = arith.constant 0 : i32
    %c0_i32_0 = arith.constant 0 : i32
    return %arg0, %c0_i32 : i32, i32
  }
  func.func @transform_1(%arg0: i32, %arg1: i32) -> (i32, i32) {
    %c0_i32 = arith.constant 0 : i32
    %c0_i32_0 = arith.constant 0 : i32
    return %c0_i32, %arg1 : i32, i32
  }
  func.func @transform_2(%arg0: i32, %arg1: i32) -> (i32, i32) {
    %c0_i32 = arith.constant 0 : i32
    %c0_i32_0 = arith.constant 0 : i32
    return %arg0, %c0_i32 : i32, i32
  }
  func.func @transform_3(%arg0: i32, %arg1: i32) -> (i32, i32) {
    %mul3A = arith.constant 5 : i32
    %mul3A_0 = arith.muli %arg1, %mul3A : i32
    %add3A = arith.addi %mul3A_0, %arg0 : i32
    %c0_i32 = arith.constant 0 : i32
    %c0_i32_1 = arith.constant 0 : i32
    return %add3A, %c0_i32 : i32, i32
  }
  func.func @transform_4(%arg0: i32, %arg1: i32) -> (i32, i32) {
    %c0_i32 = arith.constant 0 : i32
    %c0_i32_0 = arith.constant 0 : i32
    return %arg0, %c0_i32 : i32, i32
  }
}

module attributes {stable_mosaic.version = 14 : i64} {
  func.func @_stage3_body(%arg0: i32, %arg1: i32, %arg2: memref<2000x128xf32, #tpu.memory_space<vmem>>, %arg3: memref<2000x128xf32, #tpu.memory_space<vmem>>, %arg4: memref<2000x1xf32, #tpu.memory_space<vmem>>, %arg5: memref<1x256xf32, #tpu.memory_space<vmem>>, %arg6: memref<256x128xf32, #tpu.memory_space<vmem>>, %arg7: memref<2000x128xf32, #tpu.memory_space<vmem>>) attributes {dimension_semantics = [#tpu.dimension_semantics<arbitrary>, #tpu.dimension_semantics<arbitrary>], iteration_bounds = array<i64: 5, 2>, scalar_prefetch = 0 : i64, scratch_operands = 0 : i64, tpu.core_type = #tpu.core_type<tc>, window_params = [{transform_indices = @transform_0, window_bounds = array<i64: 2000, 128>}, {transform_indices = @transform_1, window_bounds = array<i64: 2000, 128>}, {transform_indices = @transform_2, window_bounds = array<i64: 2000, 1>}, {pipeline_mode = #tpu.pipeline_mode<synchronous>, transform_indices = @transform_3, window_bounds = array<i64: 1, 256>}, {transform_indices = @transform_4, window_bounds = array<i64: 256, 128>}, {transform_indices = @transform_5, window_bounds = array<i64: 2000, 128>}]} {
    %get3A = arith.constant 0 : index
    %get3A_0 = arith.constant 0 : index
    %get3A_1 = vector.load %arg4[%get3A, %get3A_0] : memref<2000x1xf32, #tpu.memory_space<vmem>>, vector<2000x1xf32>
    %get3A_2 = arith.constant 0 : index
    %get3A_3 = arith.constant 0 : index
    %get3A_4 = vector.load %arg2[%get3A_2, %get3A_3] : memref<2000x128xf32, #tpu.memory_space<vmem>>, vector<2000x128xf32>
    %mul3A = vector.broadcast %get3A_1 : vector<2000x1xf32> to vector<2000x128xf32>
    %mul3A_5 = arith.mulf %get3A_4, %mul3A : vector<2000x128xf32>
    %get3A_6 = arith.constant 0 : index
    %get3A_7 = arith.constant 0 : index
    %get3A_8 = vector.load %arg5[%get3A_6, %get3A_7] : memref<1x256xf32, #tpu.memory_space<vmem>>, vector<1x128xf32>
    %get3A_9 = vector.shape_cast %get3A_8 : vector<1x128xf32> to vector<128xf32>
    %broadcast_in_dim3A = vector.shape_cast %get3A_9 : vector<128xf32> to vector<1x128xf32>
    %add3A = vector.broadcast %broadcast_in_dim3A : vector<1x128xf32> to vector<2000x128xf32>
    %add3A_10 = arith.addf %mul3A_5, %add3A : vector<2000x128xf32>
    %get3A_11 = arith.constant 0 : index
    %get3A_12 = arith.constant 0 : index
    %get3A_13 = vector.load %arg3[%get3A_11, %get3A_12] : memref<2000x128xf32, #tpu.memory_space<vmem>>, vector<2000x128xf32>
    %mul3A_14 = vector.broadcast %get3A_1 : vector<2000x1xf32> to vector<2000x128xf32>
    %mul3A_15 = arith.mulf %get3A_13, %mul3A_14 : vector<2000x128xf32>
    %get3A_16 = arith.constant 0 : index
    %get3A_17 = arith.constant 128 : index
    %get3A_18 = vector.load %arg5[%get3A_16, %get3A_17] : memref<1x256xf32, #tpu.memory_space<vmem>>, vector<1x128xf32>
    %get3A_19 = vector.shape_cast %get3A_18 : vector<1x128xf32> to vector<128xf32>
    %broadcast_in_dim3A_20 = vector.shape_cast %get3A_19 : vector<128xf32> to vector<1x128xf32>
    %add3A_21 = vector.broadcast %broadcast_in_dim3A_20 : vector<1x128xf32> to vector<2000x128xf32>
    %add3A_22 = arith.addf %mul3A_15, %add3A_21 : vector<2000x128xf32>
    %get3A_23 = arith.constant 0 : index
    %get3A_24 = arith.constant 0 : index
    %get3A_25 = vector.load %arg6[%get3A_23, %get3A_24] : memref<256x128xf32, #tpu.memory_space<vmem>>, vector<128x128xf32>
    %dot_general3A = arith.constant dense<0.000000e+00> : vector<2000x128xf32>
    %dot_general3A_26 = tpu.matmul %add3A_10, %get3A_25, %dot_general3A {dimension_numbers = #tpu.dot_dimension_numbers<[1], [0], [0], [1], [0, 0, 1, 1], [], []>, transpose_lhs_hint = false} : vector<2000x128xf32>, vector<128x128xf32>, vector<2000x128xf32> -> vector<2000x128xf32>
    %get3A_27 = arith.constant 128 : index
    %get3A_28 = arith.constant 0 : index
    %get3A_29 = vector.load %arg6[%get3A_27, %get3A_28] : memref<256x128xf32, #tpu.memory_space<vmem>>, vector<128x128xf32>
    %dot_general3A_30 = arith.constant dense<0.000000e+00> : vector<2000x128xf32>
    %dot_general3A_31 = tpu.matmul %add3A_22, %get3A_29, %dot_general3A_30 {dimension_numbers = #tpu.dot_dimension_numbers<[1], [0], [0], [1], [0, 0, 1, 1], [], []>, transpose_lhs_hint = false} : vector<2000x128xf32>, vector<128x128xf32>, vector<2000x128xf32> -> vector<2000x128xf32>
    %add3A_32 = arith.addf %dot_general3A_26, %dot_general3A_31 : vector<2000x128xf32>
    %mul3A_33 = vector.broadcast %get3A_1 : vector<2000x1xf32> to vector<2000x128xf32>
    %mul3A_34 = arith.mulf %add3A_32, %mul3A_33 : vector<2000x128xf32>
    %swap3A = arith.constant 0 : index
    %swap3A_35 = arith.constant 0 : index
    %swap3A_36 = vector.load %arg7[%swap3A, %swap3A_35] : memref<2000x128xf32, #tpu.memory_space<vmem>>, vector<2000x128xf32>
    tpu.vector_store %arg7[%swap3A, %swap3A_35], %mul3A_34 {strides = array<i32>} : memref<2000x128xf32, #tpu.memory_space<vmem>>, vector<2000x128xf32>,
    return
  }
  func.func @transform_0(%arg0: i32, %arg1: i32) -> (i32, i32) {
    %c0_i32 = arith.constant 0 : i32
    %c0_i32_0 = arith.constant 0 : i32
    return %arg0, %c0_i32 : i32, i32
  }
  func.func @transform_1(%arg0: i32, %arg1: i32) -> (i32, i32) {
    %add3A = arith.constant 5 : i32
    %add3A_0 = arith.addi %add3A, %arg0 : i32
    %c0_i32 = arith.constant 0 : i32
    %c0_i32_1 = arith.constant 0 : i32
    return %add3A_0, %c0_i32 : i32, i32
  }
  func.func @transform_2(%arg0: i32, %arg1: i32) -> (i32, i32) {
    %c0_i32 = arith.constant 0 : i32
    %c0_i32_0 = arith.constant 0 : i32
    return %arg0, %c0_i32 : i32, i32
  }
  func.func @transform_3(%arg0: i32, %arg1: i32) -> (i32, i32) {
    %c0_i32 = arith.constant 0 : i32
    %c0_i32_0 = arith.constant 0 : i32
    %c0_i32_1 = arith.constant 0 : i32
    return %c0_i32, %c0_i32_0 : i32, i32
  }
  func.func @transform_4(%arg0: i32, %arg1: i32) -> (i32, i32) {
    %c0_i32 = arith.constant 0 : i32
    %c0_i32_0 = arith.constant 0 : i32
    return %c0_i32, %arg1 : i32, i32
  }
  func.func @transform_5(%arg0: i32, %arg1: i32) -> (i32, i32) {
    %mul3A = arith.constant 5 : i32
    %mul3A_0 = arith.muli %arg1, %mul3A : i32
    %add3A = arith.addi %mul3A_0, %arg0 : i32
    %c0_i32 = arith.constant 0 : i32
    %c0_i32_1 = arith.constant 0 : i32
    return %add3A, %c0_i32 : i32, i32
  }
}

module attributes {stable_mosaic.version = 14 : i64} {
  func.func @_stage5_body(%arg0: i32, %arg1: i32, %arg2: memref<2000x128xf32, #tpu.memory_space<vmem>>, %arg3: memref<2000x1xf32, #tpu.memory_space<vmem>>, %arg4: memref<1x128xf32, #tpu.memory_space<vmem>>, %arg5: memref<2000x128xf32, #tpu.memory_space<vmem>>) attributes {dimension_semantics = [#tpu.dimension_semantics<arbitrary>, #tpu.dimension_semantics<arbitrary>], iteration_bounds = array<i64: 5, 2>, scalar_prefetch = 0 : i64, scratch_operands = 0 : i64, tpu.core_type = #tpu.core_type<tc>, window_params = [{transform_indices = @transform_0, window_bounds = array<i64: 2000, 128>}, {transform_indices = @transform_1, window_bounds = array<i64: 2000, 1>}, {transform_indices = @transform_2, window_bounds = array<i64: 1, 128>}, {transform_indices = @transform_3, window_bounds = array<i64: 2000, 128>}]} {
    %get3A = arith.constant 0 : index
    %get3A_0 = arith.constant 0 : index
    %get3A_1 = vector.load %arg2[%get3A, %get3A_0] : memref<2000x128xf32, #tpu.memory_space<vmem>>, vector<2000x128xf32>
    %get3A_2 = arith.constant 0 : index
    %get3A_3 = arith.constant 0 : index
    %get3A_4 = vector.load %arg3[%get3A_2, %get3A_3] : memref<2000x1xf32, #tpu.memory_space<vmem>>, vector<2000x1xf32>
    %mul3A = vector.broadcast %get3A_4 : vector<2000x1xf32> to vector<2000x128xf32>
    %mul3A_5 = arith.mulf %get3A_1, %mul3A : vector<2000x128xf32>
    %get3A_6 = arith.constant 0 : index
    %get3A_7 = arith.constant 0 : index
    %get3A_8 = vector.load %arg4[%get3A_6, %get3A_7] : memref<1x128xf32, #tpu.memory_space<vmem>>, vector<1x128xf32>
    %get3A_9 = vector.shape_cast %get3A_8 : vector<1x128xf32> to vector<128xf32>
    %broadcast_in_dim3A = vector.shape_cast %get3A_9 : vector<128xf32> to vector<1x128xf32>
    %add3A = vector.broadcast %broadcast_in_dim3A : vector<1x128xf32> to vector<2000x128xf32>
    %add3A_10 = arith.addf %mul3A_5, %add3A : vector<2000x128xf32>
    %swap3A = arith.constant 0 : index
    %swap3A_11 = arith.constant 0 : index
    %swap3A_12 = vector.load %arg5[%swap3A, %swap3A_11] : memref<2000x128xf32, #tpu.memory_space<vmem>>, vector<2000x128xf32>
    tpu.vector_store %arg5[%swap3A, %swap3A_11], %add3A_10 {strides = array<i32>} : memref<2000x128xf32, #tpu.memory_space<vmem>>, vector<2000x128xf32>,
    return
  }
  func.func @transform_0(%arg0: i32, %arg1: i32) -> (i32, i32) {
    %mul3A = arith.constant 5 : i32
    %mul3A_0 = arith.muli %arg1, %mul3A : i32
    %add3A = arith.addi %mul3A_0, %arg0 : i32
    %c0_i32 = arith.constant 0 : i32
    %c0_i32_1 = arith.constant 0 : i32
    return %add3A, %c0_i32 : i32, i32
  }
  func.func @transform_1(%arg0: i32, %arg1: i32) -> (i32, i32) {
    %c0_i32 = arith.constant 0 : i32
    %c0_i32_0 = arith.constant 0 : i32
    return %arg0, %c0_i32 : i32, i32
  }
  func.func @transform_2(%arg0: i32, %arg1: i32) -> (i32, i32) {
    %c0_i32 = arith.constant 0 : i32
    %c0_i32_0 = arith.constant 0 : i32
    return %c0_i32, %arg1 : i32, i32
  }
  func.func @transform_3(%arg0: i32, %arg1: i32) -> (i32, i32) {
    %c0_i32 = arith.constant 0 : i32
    return %arg0, %arg1 : i32, i32
  }
}

</mosaic_0001>

<sc_bundles>
// kernel: kernel.11.cloned.1.call-start
scs
__scs_entry_jumppad:
0x0: {  	(pc) =	sbr.rel $0x88, $3  }
0x1: {  	(tag) =	ssettag $0x0;
	lr =	simm.s32 $0x1  }
0x2: {  	[smem:$0x3F9B] =	sst lr;
	_ =	strace $0xD0000000  }
0x3: {  	_ = 	snop  }
0x4: {  	_ = 	snop  }
0x5: {  	_ = 	snop  }
0x6: {  	_ = 	snop  }
0x7: {  	_ = 	snop  }
__scs_overlays_trampoline_lowered:
0x8: {  	[smem:$0x3FAA] =	sst s0  }
0x9: {  	[smem:$0x3FAB] =	sst s1  }
0xa: {  	[smem:$0x3FAC] =	sst s2  }
0xb: {  	[smem:$0x3FAD] =	sst s3  }
0xc: {  	[smem:$0x3FAE] =	sst s4  }
0xd: {  	[smem:$0x3FAF] =	sst s5  }
0xe: {  	[smem:$0x3FB0] =	sst s6  }
0xf: {  	[smem:$0x3FB1] =	sst s7  }
0x10: {  	[smem:$0x3FB2] =	sst s8  }
0x11: {  	[smem:$0x3FB3] =	sst s9;
	s0 =	simm.s32 @!p0 $0x0  }
0x12: {  	s1 =	sld [smem:$0x3F99];
	s0 =	simm.s32 @p0 $0x1  }
0x13: {  	[smem:$0x3FB4] =	sst s0;
	s0 =	simm.s32 @!p1 $0x0  }
0x14: {  	s2 =	sld [smem:$0x3F98];
	s0 =	simm.s32 @p1 $0x1  }
0x15: {  	[smem:$0x3FB5] =	sst s0;
	s0 =	simm.s32 @!p2 $0x0  }
0x16: {  	s3 =	sld [smem:$0x3FDB];
	s0 =	simm.s32 @p2 $0x1  }
0x17: {  	s4 =	simm.s32 $0x1BF5;
	[smem:$0x3FB7] =	sst s0  }
0x18: {  	s0 =	sld [smem:$0x3F9A];
	_ =	swait.ge [sflag:s4], $0x0  }
0x19: {  	s7 =	sld [smem:$0x3F9B]  }
0x1a: {  	s8 =	sadd.s32 $0xFFFFE003, lr  }
0x1b: {  	s9 =	sadd.s32 $0xFFFFFEF7, lr;
	s5 =	simm.s32 $0xFFFFFFFF;
	p2 =	slt.u32 s8, $0xFFFFF086  }
0x1c: {  	p1 =	slt.u32 s9, $0xF7A;
	s5 =	simm.s32 @!p2 $0x0  }
0x1d: {  	s5 =	simm.s32 @p1 $0x1;
	p0 =	seq.s32 s7, s2  }
0x1e: {  	s7 =	smul.u32 @!p0 $0xF7A, s2;
	p2 =	seq.s32 @!p0 s5, $0x0  }
0x1f: {  	s9 =	smul.u32 $0xF7A, s1;
	s8 =	simm.s32 @!p0 $0x1BF5;
	p2 =	por !p2, p0  }
0x20: {  	[sflag:s8] =	ssyncset.s32 @!p0 $0xFFFFF086;
	s6 =	sadd.s32 @!p0 s3, s7;
	s7 =	simm.s32 @!p0 $0x108  }
0x21: {  	s3 =	sadd.s32 s3, s9;
	s6 =	sadd.s32 @!p0 $0x88, s6;
	s7 =	simm.s32 @p2 $0x1082  }
0x22: {  	[simem:s7], [sflag:s8] =	dma.local @!p0 [hbm:s6], $0xF7A  }
0x23: {  	s9 =	sor.u32 $0xD0000000, s2;
	s6 =	simm.s32 $0x108;
	_ =	swait.ge @!p0 [sflag:s8], $0x0  }
0x24: {  	s3 =	sadd.s32 $0x88, s3;
	s6 =	simm.s32 @!p1 $0x1082;
	[sflag:s4] =	ssyncset.s32 $0xFFFFF086  }
0x25: {  	[simem:s6], [sflag:s4] =	dma.local [hbm:s3], $0xF7A  }
0x26: {  	[smem:$0x3F9B] =	sst s1;
	(tag) =	ssettag s2;
	_ =	strace s9  }
0x27: {  	s1 =	sld [smem:$0x3FAB]  }
0x28: {  	s2 =	sld [smem:$0x3FAC]  }
0x29: {  	s4 =	sld [smem:$0x3FAE]  }
0x2a: {  	p0 =	seq.s32 s5, $0x0;
	s5 =	sld [smem:$0x3FAF]  }
0x2b: {  	s6 =	sld [smem:$0x3FB0]  }
0x2c: {  	s7 =	sld [smem:$0x3FB1]  }
0x2d: {  	s3 =	simm.s32 $0x108;
	s8 =	sld [smem:$0x3FB2]  }
0x2e: {  	s3 =	simm.s32 @!p0 $0x1082;
	s9 =	sld [smem:$0x3FB3]  }
0x2f: {  	lr =	sadd.s32 s0, s3;
	s0 =	sld [smem:$0x3FAA]  }
0x30: {  	s3 =	sld [smem:$0x3FAD]  }
0x31: {  	[smem:$0x3FB6] =	sst s10  }
0x32: {  	s10 =	sld [smem:$0x3FB4];
	_ =	sdelay $0x3  }
0x33: {  	p0 =	seq.s32 s10, $0x1;
	s10 =	sld [smem:$0x3FB6];
	_ =	sdelay $0x3  }
0x34: {  	[smem:$0x3FB6] =	sst s10  }
0x35: {  	s10 =	sld [smem:$0x3FB5];
	_ =	sdelay $0x3  }
0x36: {  	p1 =	seq.s32 s10, $0x1;
	s10 =	sld [smem:$0x3FB6];
	_ =	sdelay $0x3  }
0x37: {  	[smem:$0x3FB6] =	sst s10  }
0x38: {  	s10 =	sld [smem:$0x3FB7]  }
0x39: {  	_ = 	snop;
	(pc) =	sbr.ind lr, $3  }
0x3a: {  	_ = 	snop  }
0x3b: {  	_ = 	snop  }
0x3c: {  	p2 =	seq.s32 s10, $0x1;
	s10 =	sld [smem:$0x3FB6]  }
0x3d: {  	_ =	shalt  }
0x3e: {  	_ =	shalt  }
0x3f: {  	_ =	shalt  }
0x40: {  	_ =	shalt  }
0x41: {  	_ =	shalt  }
0x42: {  	_ =	shalt  }
0x43: {  	_ =	shalt  }
0x44: {  	_ =	shalt  }
0x45: {  	_ =	shalt  }
0x46: {  	_ =	shalt  }
0x47: {  	_ =	shalt  }
0x48: {  	_ =	shalt  }
0x49: {  	_ =	shalt  }
0x4a: {  	_ =	shalt  }
0x4b: {  	_ =	shalt  }
0x4c: {  	_ =	shalt  }
0x4d: {  	_ =	shalt  }
0x4e: {  	_ =	shalt  }
0x4f: {  	_ =	shalt  }
0x50: {  	_ =	shalt  }
0x51: {  	_ =	shalt  }
0x52: {  	_ =	shalt  }
0x53: {  	_ =	shalt  }
0x54: {  	_ =	shalt  }
0x55: {  	_ =	shalt  }
0x56: {  	_ =	shalt  }
0x57: {  	_ =	shalt  }
0x58: {  	_ =	shalt  }
0x59: {  	_ =	shalt  }
0x5a: {  	_ =	shalt  }
0x5b: {  	_ =	shalt  }
0x5c: {  	_ =	shalt  }
0x5d: {  	_ =	shalt  }
0x5e: {  	_ =	shalt  }
0x5f: {  	_ =	shalt  }
0x60: {  	_ =	shalt  }
0x61: {  	_ =	shalt  }
0x62: {  	_ =	shalt  }
0x63: {  	_ =	shalt  }
0x64: {  	_ =	shalt  }
0x65: {  	_ =	shalt  }
0x66: {  	_ =	shalt  }
0x67: {  	_ =	shalt  }
0x68: {  	_ =	shalt  }
0x69: {  	_ =	shalt  }
0x6a: {  	_ =	shalt  }
0x6b: {  	_ =	shalt  }
0x6c: {  	_ =	shalt  }
0x6d: {  	_ =	shalt  }
0x6e: {  	_ =	shalt  }
0x6f: {  	_ =	shalt  }
0x70: {  	_ =	shalt  }
0x71: {  	_ =	shalt  }
0x72: {  	_ =	shalt  }
0x73: {  	_ =	shalt  }
0x74: {  	_ =	shalt  }
0x75: {  	_ =	shalt  }
0x76: {  	_ =	shalt  }
0x77: {  	_ =	shalt  }
0x78: {  	_ =	shalt  }
0x79: {  	_ =	shalt  }
0x7a: {  	_ =	shalt  }
0x7b: {  	_ =	shalt  }
0x7c: {  	_ =	shalt  }
0x7d: {  	_ =	shalt  }
0x7e: {  	_ =	shalt  }
0x7f: {  	_ =	shalt  }
0x80: {  	_ =	shalt  }
0x81: {  	_ =	shalt  }
0x82: {  	_ =	shalt  }
0x83: {  	_ =	shalt  }
0x84: {  	_ =	shalt  }
0x85: {  	_ =	shalt  }
0x86: {  	_ =	shalt  }
0x87: {  	_ =	shalt  }
.Lfunc_end0:
.L_simem_size_0:
called_computation.1_lowered:
.L_overlay_start_0:
0x88: {  	s2 =	sld [smem:$0x3FD9]  }
0x89: {  	s3 =	sld [smem:$0x3FFE];
	_ =	sdelay $0x1  }
0x8a: {  	s1 =	srdreg.scid  }
0x8b: {  	s0 =	sand.u32 $0x1, s1  }
0x8c: {  	s17 =	sshll.u32 s0, $0xA;
	s2 =	sadd.s32 s3, s2  }
0x8d: {  	s2 =	sadd.s32 s2, s17  }
0x8e: {  	[smem:$0x3FC2] =	sst s2  }
0x8f: {  	_ = 	snop  }
0x90: {  	s2 =	sld [smem:$0x3FD0];
	(tm) =	ssettm $0x1  }
0x91: {  	s18 =	sld [smem:$0x3FFB];
	_ =	sdelay $0x3  }
0x92: {  	_ =	strace s18  }
0x93: {  	s3 =	sld [smem:$0x3FFC];
	_ =	sdelay $0x3  }
0x94: {  	_ =	strace s3  }
0x95: {  	s3 =	sld [smem:$0x3FFD];
	_ =	sdelay $0x3  }
0x96: {  	_ =	strace s3  }
0x97: {  	_ =	strace $0x8FFFFFFF  }
0x98: {  	s19 =	sld [smem:$0x3FDB];
	_ =	sdelay $0x1  }
0x99: {  	s4 =	simm.s32 $_scs_section_size  }
0x9a: {  	s5 =	simm.s32 $_size__tile_overlayer_lowered;
	s6 =	simm.s32 $_tile_overlayer_lowered  }
0x9b: {  	s22 =	simm.s32 $0x1BFF;
	s21 =	sshll.u32 s6, $0x1;
	s3 =	sadd.s32 s4, s19  }
0x9c: {  	s7 =	simm.s32 $0x0;
	s20 =	sshll.u32 s5, $0x1;
	s5 =	sadd.s32 s21, s3  }
0x9d: {  	[timem:s7], [sflag:s22] =	dma.local [hbm:s5], s20  }
0x9e: {  	_ =	swait.ge [sflag:s22], s20  }
0x9f: {  	s4 =	ssub.s32 $0x0, s20;
	[sflag:s22] =	ssyncset.done $0x0  }
0xa0: {  	[sflag:s22] =	ssyncadd.s32 s4;
	_ =	sdelay $0x1  }
0xa1: {  	s23 =	simm.s32 $0x1B8B  }
0xa2: {  	_ =	swait.ge [sflag:s23], $0x1  }
0xa3: {  	[sflag:s23] =	ssyncset.done $0x0  }
0xa4: {  	s25 =	simm.s32 $0x1B8E;
	s24 =	sld [smem:$0x3FFE];
	[sflag:s23] =	ssyncadd.s32 $0xFFFFFFFF  }
0xa5: {  	s26 =	simm.s32 $execute0_lowered;
	[smem:$0x3FD2] =	sst s25  }
0xa6: {  	s5 =	sshll.u32 s26, $0x1;
	_ =	strace $0x80000049;
	[dreg:$0x1] =	wrdreg $0xFFFFFFFF  }
0xa7: {  	s28 =	simm.s32 $_size_execute0_lowered;
	s3 =	sadd.s32 s3, s5;
	[dreg:$0x0] =	wrdreg $0x0  }
0xa8: {  	s5 =	sshll.u32 s28, $0x1;
	[dreg:$0x2] =	wrdreg s3  }
0xa9: {  	[dreg:$0x3] =	wrdreg s5  }
0xaa: {  	[dreg:$0x4] =	wrdreg $0xC0  }
0xab: {  	_ =	task [dreg:s7], $0x5FFFF  }
0xac: {  	[dreg:$0x1] =	wrdreg $0xFFFFFFFF  }
0xad: {  	[dreg:$0x0] =	wrdreg $0x60  }
0xae: {  	[dreg:$0x2] =	wrdreg s2  }
0xaf: {  	[dreg:$0x3] =	wrdreg s24  }
0xb0: {  	[dreg:$0x4] =	wrdreg $0x41000  }
0xb1: {  	[dreg:$0x5] =	wrdreg $0x9  }
0xb2: {  	_ =	task.clear_ibuf [dreg:s7], $0x6FFFF;
	_ =	strace $0x90000049  }
0xb3: {  	s29 =	simm.s32 $0x9;
	_ =	strace $0x8000004B  }
0xb4: {  	_ =	swait.ge [sflag:s29], $0x1  }
0xb5: {  	[sflag:s29] =	ssyncadd.s32 $0xFFFFFFFF  }
0xb6: {  	_ =	strace $0x9000004B  }
0xb7: {  	_ =	sfence  }
0xb8: {  	s30 =	sld [smem:$0x0];
	_ =	sdelay $0x2  }
0xb9: {  	s31 =	sshll.u32 s1, $0xD;
	s1 =	sshrl.u32 s1, $0x2  }
0xba: {  	s3 =	sand.u32 $0x4000, s31;
	s1 =	sadd.s32 s1, s30  }
0xbb: {  	s0 =	sor.u32 s3, s0;
	s1 =	sshll.u32 s1, $0x11  }
0xbc: {  	s0 =	sor.u32 s1, s0  }
0xbd: {  	s0 =	sadd.s32 $0x8F2B, s0  }
0xbe: {  	[sflag:s0] =	ssyncadd.remote.s32 $0x1  }
0xbf: {  	_ =	sfence.sel $0xFFFF  }
0xc0: {  	[dreg:$0x0] =	wrdreg $0xFFFFFFFF;
	(pc) =	sbr.abs _section_cstart, $3  }
0xc1: {  	[dreg:$0x1] =	wrdreg $0xFFFFFFFF  }
0xc2: {  	_ =	task.clear_ibuf [dreg:s7], $0x2FFFF;
	_ =	strace $0x9FFFFFFF  }
0xc3: {  	(tm) =	ssettm $0x7FFFFFFF  }
tec
execute0_lowered:
.L_overlay_start_1:
0x0: {  	(tag) =	ssettag $0x1  }
0x1: {  	s1 =	rddreg [dreg:$0x0];
	s2 =	srdreg.scid  }
0x2: {  	s0 =	stileid.u32;
	s5 =	rddreg [dreg:$0x1]  }
0x3: {  	s3 =	rddreg [dreg:$0x2];
	s7 =	smul.u32 $0x4E80, s0  }
0x4: {  	s4 =	simm.s32 $0x0;
	s16 =	simm.s32 $0x80;
	s25 =	smul.u32 $0x9D0, s0  }
0x5: {  	s17 =	simm.s32 $0x100;
	s18 =	simm.s32 $0x1;
	s9 =	smul.u32 $0x4F000, s0  }
0x6: {  	s6 =	sand.u32 $0x1, s2;
	s2 =	rddreg [dreg:$0x3];
	s13 =	smul.u32 $0x2780, s0  }
0x7: {  	s19 =	simm.s32 $0x0;
	[smem:$0x7FF] =	sst s4;
	s8 =	smul.u32 $0x4E800, s6  }
0x8: {  	s12 =	sadd.s32 $0xB800, s5;
	p0 =	seq.s32 s0, $0xF;
	s26 =	smul.u32 $0x27100, s6  }
0x9: {  	_ =	strace $0x8000004A;
	s28 =	ssub.s32 $0x2, s6;
	s6 =	smul.u32 $0x138800, s6  }
0xa: {  	s10 =	sadd.s32 s25, s5;
	s29 =	sshrl.u32 s28, $0x1;
	s30 =	sshrl.u32 s9, $0x2  }
0xb: {  	s7 =	sadd.s32 s7, s8;
	s14 =	ssub.s32 s28, s29;
	s6 =	sshrl.u32 s6, $0x3  }
0xc: {  	s15 =	sadd.s32 s30, s3;
	s10 =	sadd.s32 $0x1A00, s10;
	s7 =	sshrl.u32 s7, $0x3  }
0xd: {  	s31 =	sadd.s32 $0x25080, s6;
	s9 =	smax.u32 s14, $0x1;
	s14 =	sshll.u32 @!p0 s0, $0x6  }
0xe: {  	s11 =	sadd.s32 s7, s5;
	s7 =	sadd.s32 s13, s26;
	s13 =	sadd.s32 $0x128400, s3  }
0xf: {  	s6 =	sadd.s32 s1, s31;
	s8 =	sadd.s32 s12, s31;
	s5 =	sadd.s32 s1, s7  }
0x10: {  	s7 =	sadd.s32 s12, s7;
	s11 =	sadd.s32 $0x5B800, s11;
	s12 =	sshrl.u32 @p0 s13, $0x3  }
0x11: {  	s13 =	sor.u32 @!p0 $0x1C02, s14;
	s14 =	sshrl.u32 @!p0 s15, $0x3;
	s15 =	simm.s32 $0x2  }
.LBB2_1:
0x12: {  	s20 =	simm.s32 @p0 $0x1FC2  }
0x13: {  	[spmem:s12], [sflag:s20] =	dma.local @p0 [hbm:s6], $0x2080  }
0x14: {  	s20 =	simm.s32 @p0 $0x2  }
0x15: {  	_ =	swait.ge @p0 [sflag:s20], $0x2080  }
0x16: {  	[sflag:s20] =	ssyncset.done @p0 $0x0  }
0x17: {  	[sflag:s20] =	ssyncadd.s32 @p0 $0xFFFFDF80;
	s20 =	simm.s32 @!p0 $0x2  }
0x18: {  	[spmem:s14], [sflag:s13] =	dma.local @!p0 [hbm:s5], $0x2780  }
0x19: {  	_ =	swait.ge @!p0 [sflag:s20], $0x2780  }
0x1a: {  	[sflag:s20] =	ssyncset.done @!p0 $0x0  }
0x1b: {  	[sflag:s20] =	ssyncadd.s32 @!p0 $0xFFFFD880  }
0x1c: {  	s30 =	sadd.s32 $0x0, s11;
	[bflag:$0x0] =	sbarrier.arrive $0xFFFF  }
0x1d: {  	[tilespmem:s4], [sflag:$0x2] =	stream.linear.gather [hbm4b:s30+s4], $0x80, $0x38;
	[tilespmem:$0x17A00] =	vst v63  }
0x1e: {  	_ =	swait.ge [sflag:s15], $0x80  }
0x1f: {  	[sflag:s15] =	ssyncset.done $0x0  }
0x20: {  	s31 =	sadd.s32 $0x0, s10;
	[sflag:s15] =	ssyncadd.s32 $0xFFFFFF80  }
0x21: {  	[tilespmem:s16], [sflag:$0x2] =	stream.linear.gather [hbm4b:s31+s4], $0x80, $0x38;
	[tilespmem:$0x17A00] =	vst v63  }
0x22: {  	_ =	swait.ge [sflag:s15], $0x80  }
0x23: {  	[sflag:s15] =	ssyncset.done $0x0  }
0x24: {  	[sflag:s15] =	ssyncadd.s32 $0xFFFFFF80  }
0x25: {  	[tilespmem:s17], [sflag:$0x1] =	stream.indirect.gather [hbm4b:s1+s16], $0x80, s4, s16, $0xb8;
	[tilespmem:$0x17A00] =	vst v63  }
0x26: {  	_ =	swait.ge [sflag:s18], $0x4000  }
0x27: {  	[sflag:s18] =	ssyncset.done $0x0  }
0x28: {  	[sflag:s18] =	ssyncadd.s32 $0xFFFFC000  }
0x29: {  	[spmem:s3] =	stream.indirect.scatter.add.f32 [tilespmem:s17], [sflag:$0x2], $0x80, s16, s16, $0xb8;
	[tilespmem:$0x17A00] =	vst v63  }
0x2a: {  	_ =	swait.ge [sflag:s15], $0x4000  }
0x2b: {  	s21 =	simm.s32 $0x20;
	s20 =	simm.s32 $0x10;
	[sflag:s15] =	ssyncset.done $0x0  }
.LBB2_2:
0x2c: {  	s22 =	sadd.s32 s20, s11  }
0x2d: {  	[sflag:s15] =	ssyncadd.s32 $0xFFFFC000;
	s23 =	smov.u32 s21;
	s24 =	sadd.s32 $0x10, s21  }
0x2e: {  	[tilespmem:s4], [sflag:$0x2] =	stream.linear.gather [hbm4b:s22+s4], $0x80, $0x38;
	[tilespmem:$0x17A00] =	vst v63  }
0x2f: {  	p1 =	sne.s32 s21, $0x9C0;
	_ =	swait.ge [sflag:s15], $0x80  }
0x30: {  	[sflag:s15] =	ssyncset.done $0x0  }
0x31: {  	s21 =	sadd.s32 s20, s10;
	s20 =	smov.u32 s23;
	[sflag:s15] =	ssyncadd.s32 $0xFFFFFF80  }
0x32: {  	[tilespmem:s16], [sflag:$0x2] =	stream.linear.gather [hbm4b:s21+s4], $0x80, $0x38;
	[tilespmem:$0x17A00] =	vst v63  }
0x33: {  	_ =	swait.ge [sflag:s15], $0x80  }
0x34: {  	[sflag:s15] =	ssyncset.done $0x0  }
0x35: {  	[sflag:s15] =	ssyncadd.s32 $0xFFFFFF80  }
0x36: {  	[tilespmem:s17], [sflag:$0x1] =	stream.indirect.gather [hbm4b:s1+s16], $0x80, s4, s16, $0xb8;
	[tilespmem:$0x17A00] =	vst v63  }
0x37: {  	_ =	swait.ge [sflag:s18], $0x4000  }
.Ltmp0:
0x38: {  	[sflag:s18] =	ssyncset.done $0x0;
	(pc) =	sbr.rel @p1 .LBB2_2-.Ltmp0, $4  }
0x39: {  	[sflag:s18] =	ssyncadd.s32 $0xFFFFC000  }
0x3a: {  	[spmem:s3] =	stream.indirect.scatter.add.f32 [tilespmem:s17], [sflag:$0x2], $0x80, s16, s16, $0xb8;
	[tilespmem:$0x17A00] =	vst v63  }
0x3b: {  	_ =	swait.ge [sflag:s15], $0x4000  }
0x3c: {  	s21 =	smov.u32 s24;
	[sflag:s15] =	ssyncset.done $0x0  }
0x3d: {  	s21 =	sadd.s32 s20, s11;
	[sflag:s15] =	ssyncadd.s32 $0xFFFFC000  }
0x3e: {  	[tilespmem:s4], [sflag:$0x2] =	stream.linear.gather [hbm4b:s21+s4], $0x80, $0x38;
	[tilespmem:$0x17A00] =	vst v63  }
0x3f: {  	_ =	swait.ge [sflag:s15], $0x80  }
0x40: {  	[sflag:s15] =	ssyncset.done $0x0  }
0x41: {  	s31 =	sadd.s32 s20, s10;
	[sflag:s15] =	ssyncadd.s32 $0xFFFFFF80  }
0x42: {  	[tilespmem:s16], [sflag:$0x2] =	stream.linear.gather [hbm4b:s31+s4], $0x80, $0x38;
	[tilespmem:$0x17A00] =	vst v63  }
0x43: {  	_ =	swait.ge [sflag:s15], $0x80  }
0x44: {  	[sflag:s15] =	ssyncset.done $0x0  }
0x45: {  	[sflag:s15] =	ssyncadd.s32 $0xFFFFFF80  }
0x46: {  	[tilespmem:s17], [sflag:$0x1] =	stream.indirect.gather [hbm4b:s1+s16], $0x80, s4, s16, $0xb8;
	[tilespmem:$0x17A00] =	vst v63  }
0x47: {  	_ =	swait.ge [sflag:s18], $0x4000  }
0x48: {  	[sflag:s18] =	ssyncset.done $0x0  }
0x49: {  	[sflag:s18] =	ssyncadd.s32 $0xFFFFC000  }
0x4a: {  	[spmem:s3] =	stream.indirect.scatter.add.f32 [tilespmem:s17], [sflag:$0x2], $0x80, s16, s16, $0xb8;
	[tilespmem:$0x17A00] =	vst v63  }
0x4b: {  	_ =	swait.ge [sflag:s15], $0x4000  }
0x4c: {  	[sflag:s15] =	ssyncset.done $0x0  }
0x4d: {  	[sflag:s15] =	ssyncadd.s32 $0xFFFFC000  }
0x4e: {  	s20 =	simm.s32 @p0 $0x1FC2;
	[bflag:$0x0] =	sbarrier.arrive $0xFFFF  }
0x4f: {  	[hbm:s8], [sflag:s20] =	dma.local @p0 [spmem:s12], $0x2080  }
0x50: {  	s20 =	simm.s32 @p0 $0x2  }
0x51: {  	s19 =	sadd.s32 $0x1, s19;
	_ =	swait.ge @p0 [sflag:s20], $0x2080  }
0x52: {  	p1 =	sne.s32 s19, s9;
	[sflag:s20] =	ssyncset.done @p0 $0x0  }
.Ltmp1:
0x53: {  	[sflag:s20] =	ssyncadd.s32 @p0 $0xFFFFDF80;
	s20 =	simm.s32 @!p0 $0x2;
	(pc) =	sbr.rel @p1 .LBB2_1-.Ltmp1, $4  }
0x54: {  	[hbm:s7], [sflag:s13] =	dma.local @!p0 [spmem:s14], $0x2780  }
0x55: {  	_ =	swait.ge @!p0 [sflag:s20], $0x2780  }
0x56: {  	[sflag:s20] =	ssyncset.done @!p0 $0x0  }
0x57: {  	[sflag:s20] =	ssyncadd.s32 @!p0 $0xFFFFD880  }
0x58: {  	_ =	sfence.sel $0x180000  }
0x59: {  	[bflag:$0x0] =	sbarrier.arrive $0xFFFF  }
0x5a: {  	p0 =	sne.s32 s0, $0x0;
	_ =	strace $0x9000004A  }
0x5b: {  	s0 =	sadd.s32 @!p0 $0x100000, s2;
	[bflag:$0x2] =	sbarrier.arrive $0xFFFF  }
0x5c: {  	[sflag:s0] =	ssyncadd.tile.s32 @!p0 $0x1;
	_ =	shalt  }
.Lfunc_end2:
_tile_overlayer_lowered:
.L_overlay_start_2:
0x5d: {  	(tag) =	ssettag $0x2  }
0x5e: {  	s0 =	rddreg [dreg:$0x0];
	s2 =	stileid.u32  }
0x5f: {  	s1 =	rddreg [dreg:$0x1];
	p0 =	sne.s32 s2, $0x0  }
0x60: {  	s3 =	rddreg [dreg:$0x2];
	[bflag:$0x3] =	sbarrier.arrive $0xFFFF;
	s2 =	simm.s32 @!p0 $0x1C02  }
0x61: {  	[timem:s3], [sflag:s2] =	dma.local @!p0 [hbm:s0], s1  }
0x62: {  	s0 =	simm.s32 @!p0 $0x2  }
0x63: {  	_ =	swait.ge @!p0 [sflag:s0], s1  }
0x64: {  	s1 =	ssub.s32 @!p0 $0x0, s1;
	[sflag:s0] =	ssyncset.done @!p0 $0x0  }
0x65: {  	[sflag:s0] =	ssyncadd.s32 @!p0 s1  }
0x66: {  	[bflag:$0x3] =	sbarrier.arrive $0xFFFF  }
0x67: {  	_ =	shalt  }

// kernel: kernel.14.cloned.1.call-start
scs
__scs_entry_jumppad:
0x0: {  	(pc) =	sbr.rel $0x88, $3  }
0x1: {  	(tag) =	ssettag $0x0;
	lr =	simm.s32 $0x1  }
0x2: {  	[smem:$0x3F9B] =	sst lr;
	_ =	strace $0xD0000000  }
0x3: {  	_ = 	snop  }
0x4: {  	_ = 	snop  }
0x5: {  	_ = 	snop  }
0x6: {  	_ = 	snop  }
0x7: {  	_ = 	snop  }
__scs_overlays_trampoline_lowered:
0x8: {  	[smem:$0x3FAA] =	sst s0  }
0x9: {  	[smem:$0x3FAB] =	sst s1  }
0xa: {  	[smem:$0x3FAC] =	sst s2  }
0xb: {  	[smem:$0x3FAD] =	sst s3  }
0xc: {  	[smem:$0x3FAE] =	sst s4  }
0xd: {  	[smem:$0x3FAF] =	sst s5  }
0xe: {  	[smem:$0x3FB0] =	sst s6  }
0xf: {  	[smem:$0x3FB1] =	sst s7  }
0x10: {  	[smem:$0x3FB2] =	sst s8  }
0x11: {  	[smem:$0x3FB3] =	sst s9;
	s0 =	simm.s32 @!p0 $0x0  }
0x12: {  	s1 =	sld [smem:$0x3F99];
	s0 =	simm.s32 @p0 $0x1  }
0x13: {  	[smem:$0x3FB4] =	sst s0;
	s0 =	simm.s32 @!p1 $0x0  }
0x14: {  	s2 =	sld [smem:$0x3F98];
	s0 =	simm.s32 @p1 $0x1  }
0x15: {  	[smem:$0x3FB5] =	sst s0;
	s0 =	simm.s32 @!p2 $0x0  }
0x16: {  	s3 =	sld [smem:$0x3FDB];
	s0 =	simm.s32 @p2 $0x1  }
0x17: {  	s4 =	simm.s32 $0x1BF5;
	[smem:$0x3FB7] =	sst s0  }
0x18: {  	s0 =	sld [smem:$0x3F9A];
	_ =	swait.ge [sflag:s4], $0x0  }
0x19: {  	s7 =	sld [smem:$0x3F9B]  }
0x1a: {  	s8 =	sadd.s32 $0xFFFFE003, lr  }
0x1b: {  	s9 =	sadd.s32 $0xFFFFFEF7, lr;
	s5 =	simm.s32 $0xFFFFFFFF;
	p2 =	slt.u32 s8, $0xFFFFF086  }
0x1c: {  	p1 =	slt.u32 s9, $0xF7A;
	s5 =	simm.s32 @!p2 $0x0  }
0x1d: {  	s5 =	simm.s32 @p1 $0x1;
	p0 =	seq.s32 s7, s2  }
0x1e: {  	s7 =	smul.u32 @!p0 $0xF7A, s2;
	p2 =	seq.s32 @!p0 s5, $0x0  }
0x1f: {  	s9 =	smul.u32 $0xF7A, s1;
	s8 =	simm.s32 @!p0 $0x1BF5;
	p2 =	por !p2, p0  }
0x20: {  	[sflag:s8] =	ssyncset.s32 @!p0 $0xFFFFF086;
	s6 =	sadd.s32 @!p0 s3, s7;
	s7 =	simm.s32 @!p0 $0x108  }
0x21: {  	s3 =	sadd.s32 s3, s9;
	s6 =	sadd.s32 @!p0 $0x88, s6;
	s7 =	simm.s32 @p2 $0x1082  }
0x22: {  	[simem:s7], [sflag:s8] =	dma.local @!p0 [hbm:s6], $0xF7A  }
0x23: {  	s9 =	sor.u32 $0xD0000000, s2;
	s6 =	simm.s32 $0x108;
	_ =	swait.ge @!p0 [sflag:s8], $0x0  }
0x24: {  	s3 =	sadd.s32 $0x88, s3;
	s6 =	simm.s32 @!p1 $0x1082;
	[sflag:s4] =	ssyncset.s32 $0xFFFFF086  }
0x25: {  	[simem:s6], [sflag:s4] =	dma.local [hbm:s3], $0xF7A  }
0x26: {  	[smem:$0x3F9B] =	sst s1;
	(tag) =	ssettag s2;
	_ =	strace s9  }
0x27: {  	s1 =	sld [smem:$0x3FAB]  }
0x28: {  	s2 =	sld [smem:$0x3FAC]  }
0x29: {  	s4 =	sld [smem:$0x3FAE]  }
0x2a: {  	p0 =	seq.s32 s5, $0x0;
	s5 =	sld [smem:$0x3FAF]  }
0x2b: {  	s6 =	sld [smem:$0x3FB0]  }
0x2c: {  	s7 =	sld [smem:$0x3FB1]  }
0x2d: {  	s3 =	simm.s32 $0x108;
	s8 =	sld [smem:$0x3FB2]  }
0x2e: {  	s3 =	simm.s32 @!p0 $0x1082;
	s9 =	sld [smem:$0x3FB3]  }
0x2f: {  	lr =	sadd.s32 s0, s3;
	s0 =	sld [smem:$0x3FAA]  }
0x30: {  	s3 =	sld [smem:$0x3FAD]  }
0x31: {  	[smem:$0x3FB6] =	sst s10  }
0x32: {  	s10 =	sld [smem:$0x3FB4];
	_ =	sdelay $0x3  }
0x33: {  	p0 =	seq.s32 s10, $0x1;
	s10 =	sld [smem:$0x3FB6];
	_ =	sdelay $0x3  }
0x34: {  	[smem:$0x3FB6] =	sst s10  }
0x35: {  	s10 =	sld [smem:$0x3FB5];
	_ =	sdelay $0x3  }
0x36: {  	p1 =	seq.s32 s10, $0x1;
	s10 =	sld [smem:$0x3FB6];
	_ =	sdelay $0x3  }
0x37: {  	[smem:$0x3FB6] =	sst s10  }
0x38: {  	s10 =	sld [smem:$0x3FB7]  }
0x39: {  	_ = 	snop;
	(pc) =	sbr.ind lr, $3  }
0x3a: {  	_ = 	snop  }
0x3b: {  	_ = 	snop  }
0x3c: {  	p2 =	seq.s32 s10, $0x1;
	s10 =	sld [smem:$0x3FB6]  }
0x3d: {  	_ =	shalt  }
0x3e: {  	_ =	shalt  }
0x3f: {  	_ =	shalt  }
0x40: {  	_ =	shalt  }
0x41: {  	_ =	shalt  }
0x42: {  	_ =	shalt  }
0x43: {  	_ =	shalt  }
0x44: {  	_ =	shalt  }
0x45: {  	_ =	shalt  }
0x46: {  	_ =	shalt  }
0x47: {  	_ =	shalt  }
0x48: {  	_ =	shalt  }
0x49: {  	_ =	shalt  }
0x4a: {  	_ =	shalt  }
0x4b: {  	_ =	shalt  }
0x4c: {  	_ =	shalt  }
0x4d: {  	_ =	shalt  }
0x4e: {  	_ =	shalt  }
0x4f: {  	_ =	shalt  }
0x50: {  	_ =	shalt  }
0x51: {  	_ =	shalt  }
0x52: {  	_ =	shalt  }
0x53: {  	_ =	shalt  }
0x54: {  	_ =	shalt  }
0x55: {  	_ =	shalt  }
0x56: {  	_ =	shalt  }
0x57: {  	_ =	shalt  }
0x58: {  	_ =	shalt  }
0x59: {  	_ =	shalt  }
0x5a: {  	_ =	shalt  }
0x5b: {  	_ =	shalt  }
0x5c: {  	_ =	shalt  }
0x5d: {  	_ =	shalt  }
0x5e: {  	_ =	shalt  }
0x5f: {  	_ =	shalt  }
0x60: {  	_ =	shalt  }
0x61: {  	_ =	shalt  }
0x62: {  	_ =	shalt  }
0x63: {  	_ =	shalt  }
0x64: {  	_ =	shalt  }
0x65: {  	_ =	shalt  }
0x66: {  	_ =	shalt  }
0x67: {  	_ =	shalt  }
0x68: {  	_ =	shalt  }
0x69: {  	_ =	shalt  }
0x6a: {  	_ =	shalt  }
0x6b: {  	_ =	shalt  }
0x6c: {  	_ =	shalt  }
0x6d: {  	_ =	shalt  }
0x6e: {  	_ =	shalt  }
0x6f: {  	_ =	shalt  }
0x70: {  	_ =	shalt  }
0x71: {  	_ =	shalt  }
0x72: {  	_ =	shalt  }
0x73: {  	_ =	shalt  }
0x74: {  	_ =	shalt  }
0x75: {  	_ =	shalt  }
0x76: {  	_ =	shalt  }
0x77: {  	_ =	shalt  }
0x78: {  	_ =	shalt  }
0x79: {  	_ =	shalt  }
0x7a: {  	_ =	shalt  }
0x7b: {  	_ =	shalt  }
0x7c: {  	_ =	shalt  }
0x7d: {  	_ =	shalt  }
0x7e: {  	_ =	shalt  }
0x7f: {  	_ =	shalt  }
0x80: {  	_ =	shalt  }
0x81: {  	_ =	shalt  }
0x82: {  	_ =	shalt  }
0x83: {  	_ =	shalt  }
0x84: {  	_ =	shalt  }
0x85: {  	_ =	shalt  }
0x86: {  	_ =	shalt  }
0x87: {  	_ =	shalt  }
.Lfunc_end0:
.L_simem_size_0:
called_computation.2_lowered:
.L_overlay_start_0:
0x88: {  	s2 =	sld [smem:$0x3FD9]  }
0x89: {  	s3 =	sld [smem:$0x3FFE];
	_ =	sdelay $0x1  }
0x8a: {  	s1 =	srdreg.scid  }
0x8b: {  	s0 =	sand.u32 $0x1, s1  }
0x8c: {  	s17 =	sshll.u32 s0, $0xA;
	s2 =	sadd.s32 s3, s2  }
0x8d: {  	s2 =	sadd.s32 s2, s17  }
0x8e: {  	[smem:$0x3FC2] =	sst s2  }
0x8f: {  	_ = 	snop  }
0x90: {  	s2 =	sld [smem:$0x3FD0];
	(tm) =	ssettm $0x1  }
0x91: {  	s18 =	sld [smem:$0x3FFB];
	_ =	sdelay $0x3  }
0x92: {  	_ =	strace s18  }
0x93: {  	s3 =	sld [smem:$0x3FFC];
	_ =	sdelay $0x3  }
0x94: {  	_ =	strace s3  }
0x95: {  	s3 =	sld [smem:$0x3FFD];
	_ =	sdelay $0x3  }
0x96: {  	_ =	strace s3  }
0x97: {  	_ =	strace $0x8FFFFFFF  }
0x98: {  	s19 =	sld [smem:$0x3FDB];
	_ =	sdelay $0x1  }
0x99: {  	s4 =	simm.s32 $_scs_section_size  }
0x9a: {  	s5 =	simm.s32 $_size__tile_overlayer_lowered;
	s6 =	simm.s32 $_tile_overlayer_lowered  }
0x9b: {  	s22 =	simm.s32 $0x1BFF;
	s21 =	sshll.u32 s6, $0x1;
	s3 =	sadd.s32 s4, s19  }
0x9c: {  	s7 =	simm.s32 $0x0;
	s20 =	sshll.u32 s5, $0x1;
	s5 =	sadd.s32 s21, s3  }
0x9d: {  	[timem:s7], [sflag:s22] =	dma.local [hbm:s5], s20  }
0x9e: {  	_ =	swait.ge [sflag:s22], s20  }
0x9f: {  	s4 =	ssub.s32 $0x0, s20;
	[sflag:s22] =	ssyncset.done $0x0  }
0xa0: {  	[sflag:s22] =	ssyncadd.s32 s4;
	_ =	sdelay $0x1  }
0xa1: {  	s23 =	simm.s32 $0x1B8B  }
0xa2: {  	_ =	swait.ge [sflag:s23], $0x1  }
0xa3: {  	[sflag:s23] =	ssyncset.done $0x0  }
0xa4: {  	s25 =	simm.s32 $0x1B8E;
	s24 =	sld [smem:$0x3FFE];
	[sflag:s23] =	ssyncadd.s32 $0xFFFFFFFF  }
0xa5: {  	s26 =	simm.s32 $execute0_lowered;
	[smem:$0x3FD2] =	sst s25  }
0xa6: {  	s5 =	sshll.u32 s26, $0x1;
	_ =	strace $0x8000004C;
	[dreg:$0x1] =	wrdreg $0xFFFFFFFF  }
0xa7: {  	s28 =	simm.s32 $_size_execute0_lowered;
	s3 =	sadd.s32 s3, s5;
	[dreg:$0x0] =	wrdreg $0x0  }
0xa8: {  	s5 =	sshll.u32 s28, $0x1;
	[dreg:$0x2] =	wrdreg s3  }
0xa9: {  	[dreg:$0x3] =	wrdreg s5  }
0xaa: {  	[dreg:$0x4] =	wrdreg $0xC0  }
0xab: {  	_ =	task [dreg:s7], $0x5FFFF  }
0xac: {  	[dreg:$0x1] =	wrdreg $0xFFFFFFFF  }
0xad: {  	[dreg:$0x0] =	wrdreg $0x60  }
0xae: {  	[dreg:$0x2] =	wrdreg s2  }
0xaf: {  	[dreg:$0x3] =	wrdreg s24  }
0xb0: {  	[dreg:$0x4] =	wrdreg $0x41000  }
0xb1: {  	[dreg:$0x5] =	wrdreg $0x9  }
0xb2: {  	_ =	task.clear_ibuf [dreg:s7], $0x6FFFF;
	_ =	strace $0x9000004C  }
0xb3: {  	s29 =	simm.s32 $0x9;
	_ =	strace $0x8000004E  }
0xb4: {  	_ =	swait.ge [sflag:s29], $0x1  }
0xb5: {  	[sflag:s29] =	ssyncadd.s32 $0xFFFFFFFF  }
0xb6: {  	_ =	strace $0x9000004E  }
0xb7: {  	_ =	sfence  }
0xb8: {  	s30 =	sld [smem:$0x0];
	_ =	sdelay $0x2  }
0xb9: {  	s31 =	sshll.u32 s1, $0xD;
	s1 =	sshrl.u32 s1, $0x2  }
0xba: {  	s3 =	sand.u32 $0x4000, s31;
	s1 =	sadd.s32 s1, s30  }
0xbb: {  	s0 =	sor.u32 s3, s0;
	s1 =	sshll.u32 s1, $0x11  }
0xbc: {  	s0 =	sor.u32 s1, s0  }
0xbd: {  	s0 =	sadd.s32 $0x8F2B, s0  }
0xbe: {  	[sflag:s0] =	ssyncadd.remote.s32 $0x1  }
0xbf: {  	_ =	sfence.sel $0xFFFF  }
0xc0: {  	[dreg:$0x0] =	wrdreg $0xFFFFFFFF;
	(pc) =	sbr.abs _section_cstart, $3  }
0xc1: {  	[dreg:$0x1] =	wrdreg $0xFFFFFFFF  }
0xc2: {  	_ =	task.clear_ibuf [dreg:s7], $0x2FFFF;
	_ =	strace $0x9FFFFFFF  }
0xc3: {  	(tm) =	ssettm $0x7FFFFFFF  }
tec
execute0_lowered:
.L_overlay_start_1:
0x0: {  	(tag) =	ssettag $0x1  }
0x1: {  	s1 =	rddreg [dreg:$0x0];
	s2 =	srdreg.scid  }
0x2: {  	s0 =	stileid.u32;
	s5 =	rddreg [dreg:$0x1]  }
0x3: {  	s3 =	rddreg [dreg:$0x2];
	s7 =	smul.u32 $0x4E80, s0  }
0x4: {  	s4 =	simm.s32 $0x0;
	s16 =	simm.s32 $0x80;
	s25 =	smul.u32 $0x9D0, s0  }
0x5: {  	s17 =	simm.s32 $0x100;
	s18 =	simm.s32 $0x1;
	s9 =	smul.u32 $0x4F000, s0  }
0x6: {  	s6 =	sand.u32 $0x1, s2;
	s2 =	rddreg [dreg:$0x3];
	s13 =	smul.u32 $0x2780, s0  }
0x7: {  	s19 =	simm.s32 $0x0;
	[smem:$0x7FF] =	sst s4;
	s8 =	smul.u32 $0x4E800, s6  }
0x8: {  	s12 =	sadd.s32 $0xB800, s5;
	p0 =	seq.s32 s0, $0xF;
	s26 =	smul.u32 $0x27100, s6  }
0x9: {  	_ =	strace $0x8000004D;
	s28 =	ssub.s32 $0x2, s6;
	s6 =	smul.u32 $0x138800, s6  }
0xa: {  	s10 =	sadd.s32 s25, s5;
	s29 =	sshrl.u32 s28, $0x1;
	s30 =	sshrl.u32 s9, $0x2  }
0xb: {  	s7 =	sadd.s32 s7, s8;
	s14 =	ssub.s32 s28, s29;
	s6 =	sshrl.u32 s6, $0x3  }
0xc: {  	s15 =	sadd.s32 s30, s3;
	s10 =	sadd.s32 $0x1A00, s10;
	s7 =	sshrl.u32 s7, $0x3  }
0xd: {  	s31 =	sadd.s32 $0x25080, s6;
	s9 =	smax.u32 s14, $0x1;
	s14 =	sshll.u32 @!p0 s0, $0x6  }
0xe: {  	s11 =	sadd.s32 s7, s5;
	s7 =	sadd.s32 s13, s26;
	s13 =	sadd.s32 $0x128400, s3  }
0xf: {  	s6 =	sadd.s32 s1, s31;
	s8 =	sadd.s32 s12, s31;
	s5 =	sadd.s32 s1, s7  }
0x10: {  	s7 =	sadd.s32 s12, s7;
	s11 =	sadd.s32 $0x5B800, s11;
	s12 =	sshrl.u32 @p0 s13, $0x3  }
0x11: {  	s13 =	sor.u32 @!p0 $0x1C02, s14;
	s14 =	sshrl.u32 @!p0 s15, $0x3;
	s15 =	simm.s32 $0x2  }
.LBB2_1:
0x12: {  	s20 =	simm.s32 @p0 $0x1FC2  }
0x13: {  	[spmem:s12], [sflag:s20] =	dma.local @p0 [hbm:s6], $0x2080  }
0x14: {  	s20 =	simm.s32 @p0 $0x2  }
0x15: {  	_ =	swait.ge @p0 [sflag:s20], $0x2080  }
0x16: {  	[sflag:s20] =	ssyncset.done @p0 $0x0  }
0x17: {  	[sflag:s20] =	ssyncadd.s32 @p0 $0xFFFFDF80;
	s20 =	simm.s32 @!p0 $0x2  }
0x18: {  	[spmem:s14], [sflag:s13] =	dma.local @!p0 [hbm:s5], $0x2780  }
0x19: {  	_ =	swait.ge @!p0 [sflag:s20], $0x2780  }
0x1a: {  	[sflag:s20] =	ssyncset.done @!p0 $0x0  }
0x1b: {  	[sflag:s20] =	ssyncadd.s32 @!p0 $0xFFFFD880  }
0x1c: {  	s30 =	sadd.s32 $0x0, s11;
	[bflag:$0x0] =	sbarrier.arrive $0xFFFF  }
0x1d: {  	[tilespmem:s4], [sflag:$0x2] =	stream.linear.gather [hbm4b:s30+s4], $0x80, $0x38;
	[tilespmem:$0x17A00] =	vst v63  }
0x1e: {  	_ =	swait.ge [sflag:s15], $0x80  }
0x1f: {  	[sflag:s15] =	ssyncset.done $0x0  }
0x20: {  	s31 =	sadd.s32 $0x0, s10;
	[sflag:s15] =	ssyncadd.s32 $0xFFFFFF80  }
0x21: {  	[tilespmem:s16], [sflag:$0x2] =	stream.linear.gather [hbm4b:s31+s4], $0x80, $0x38;
	[tilespmem:$0x17A00] =	vst v63  }
0x22: {  	_ =	swait.ge [sflag:s15], $0x80  }
0x23: {  	[sflag:s15] =	ssyncset.done $0x0  }
0x24: {  	[sflag:s15] =	ssyncadd.s32 $0xFFFFFF80  }
0x25: {  	[tilespmem:s17], [sflag:$0x1] =	stream.indirect.gather [hbm4b:s1+s16], $0x80, s4, s16, $0xb8;
	[tilespmem:$0x17A00] =	vst v63  }
0x26: {  	_ =	swait.ge [sflag:s18], $0x4000  }
0x27: {  	[sflag:s18] =	ssyncset.done $0x0  }
0x28: {  	[sflag:s18] =	ssyncadd.s32 $0xFFFFC000  }
0x29: {  	[spmem:s3] =	stream.indirect.scatter.add.f32 [tilespmem:s17], [sflag:$0x2], $0x80, s16, s16, $0xb8;
	[tilespmem:$0x17A00] =	vst v63  }
0x2a: {  	_ =	swait.ge [sflag:s15], $0x4000  }
0x2b: {  	s21 =	simm.s32 $0x20;
	s20 =	simm.s32 $0x10;
	[sflag:s15] =	ssyncset.done $0x0  }
.LBB2_2:
0x2c: {  	s22 =	sadd.s32 s20, s11  }
0x2d: {  	[sflag:s15] =	ssyncadd.s32 $0xFFFFC000;
	s23 =	smov.u32 s21;
	s24 =	sadd.s32 $0x10, s21  }
0x2e: {  	[tilespmem:s4], [sflag:$0x2] =	stream.linear.gather [hbm4b:s22+s4], $0x80, $0x38;
	[tilespmem:$0x17A00] =	vst v63  }
0x2f: {  	p1 =	sne.s32 s21, $0x9C0;
	_ =	swait.ge [sflag:s15], $0x80  }
0x30: {  	[sflag:s15] =	ssyncset.done $0x0  }
0x31: {  	s21 =	sadd.s32 s20, s10;
	s20 =	smov.u32 s23;
	[sflag:s15] =	ssyncadd.s32 $0xFFFFFF80  }
0x32: {  	[tilespmem:s16], [sflag:$0x2] =	stream.linear.gather [hbm4b:s21+s4], $0x80, $0x38;
	[tilespmem:$0x17A00] =	vst v63  }
0x33: {  	_ =	swait.ge [sflag:s15], $0x80  }
0x34: {  	[sflag:s15] =	ssyncset.done $0x0  }
0x35: {  	[sflag:s15] =	ssyncadd.s32 $0xFFFFFF80  }
0x36: {  	[tilespmem:s17], [sflag:$0x1] =	stream.indirect.gather [hbm4b:s1+s16], $0x80, s4, s16, $0xb8;
	[tilespmem:$0x17A00] =	vst v63  }
0x37: {  	_ =	swait.ge [sflag:s18], $0x4000  }
.Ltmp0:
0x38: {  	[sflag:s18] =	ssyncset.done $0x0;
	(pc) =	sbr.rel @p1 .LBB2_2-.Ltmp0, $4  }
0x39: {  	[sflag:s18] =	ssyncadd.s32 $0xFFFFC000  }
0x3a: {  	[spmem:s3] =	stream.indirect.scatter.add.f32 [tilespmem:s17], [sflag:$0x2], $0x80, s16, s16, $0xb8;
	[tilespmem:$0x17A00] =	vst v63  }
0x3b: {  	_ =	swait.ge [sflag:s15], $0x4000  }
0x3c: {  	s21 =	smov.u32 s24;
	[sflag:s15] =	ssyncset.done $0x0  }
0x3d: {  	s21 =	sadd.s32 s20, s11;
	[sflag:s15] =	ssyncadd.s32 $0xFFFFC000  }
0x3e: {  	[tilespmem:s4], [sflag:$0x2] =	stream.linear.gather [hbm4b:s21+s4], $0x80, $0x38;
	[tilespmem:$0x17A00] =	vst v63  }
0x3f: {  	_ =	swait.ge [sflag:s15], $0x80  }
0x40: {  	[sflag:s15] =	ssyncset.done $0x0  }
0x41: {  	s31 =	sadd.s32 s20, s10;
	[sflag:s15] =	ssyncadd.s32 $0xFFFFFF80  }
0x42: {  	[tilespmem:s16], [sflag:$0x2] =	stream.linear.gather [hbm4b:s31+s4], $0x80, $0x38;
	[tilespmem:$0x17A00] =	vst v63  }
0x43: {  	_ =	swait.ge [sflag:s15], $0x80  }
0x44: {  	[sflag:s15] =	ssyncset.done $0x0  }
0x45: {  	[sflag:s15] =	ssyncadd.s32 $0xFFFFFF80  }
0x46: {  	[tilespmem:s17], [sflag:$0x1] =	stream.indirect.gather [hbm4b:s1+s16], $0x80, s4, s16, $0xb8;
	[tilespmem:$0x17A00] =	vst v63  }
0x47: {  	_ =	swait.ge [sflag:s18], $0x4000  }
0x48: {  	[sflag:s18] =	ssyncset.done $0x0  }
0x49: {  	[sflag:s18] =	ssyncadd.s32 $0xFFFFC000  }
0x4a: {  	[spmem:s3] =	stream.indirect.scatter.add.f32 [tilespmem:s17], [sflag:$0x2], $0x80, s16, s16, $0xb8;
	[tilespmem:$0x17A00] =	vst v63  }
0x4b: {  	_ =	swait.ge [sflag:s15], $0x4000  }
0x4c: {  	[sflag:s15] =	ssyncset.done $0x0  }
0x4d: {  	[sflag:s15] =	ssyncadd.s32 $0xFFFFC000  }
0x4e: {  	s20 =	simm.s32 @p0 $0x1FC2;
	[bflag:$0x0] =	sbarrier.arrive $0xFFFF  }
0x4f: {  	[hbm:s8], [sflag:s20] =	dma.local @p0 [spmem:s12], $0x2080  }
0x50: {  	s20 =	simm.s32 @p0 $0x2  }
0x51: {  	s19 =	sadd.s32 $0x1, s19;
	_ =	swait.ge @p0 [sflag:s20], $0x2080  }
0x52: {  	p1 =	sne.s32 s19, s9;
	[sflag:s20] =	ssyncset.done @p0 $0x0  }
.Ltmp1:
0x53: {  	[sflag:s20] =	ssyncadd.s32 @p0 $0xFFFFDF80;
	s20 =	simm.s32 @!p0 $0x2;
	(pc) =	sbr.rel @p1 .LBB2_1-.Ltmp1, $4  }
0x54: {  	[hbm:s7], [sflag:s13] =	dma.local @!p0 [spmem:s14], $0x2780  }
0x55: {  	_ =	swait.ge @!p0 [sflag:s20], $0x2780  }
0x56: {  	[sflag:s20] =	ssyncset.done @!p0 $0x0  }
0x57: {  	[sflag:s20] =	ssyncadd.s32 @!p0 $0xFFFFD880  }
0x58: {  	_ =	sfence.sel $0x180000  }
0x59: {  	[bflag:$0x0] =	sbarrier.arrive $0xFFFF  }
0x5a: {  	p0 =	sne.s32 s0, $0x0;
	_ =	strace $0x9000004D  }
0x5b: {  	s0 =	sadd.s32 @!p0 $0x100000, s2;
	[bflag:$0x2] =	sbarrier.arrive $0xFFFF  }
0x5c: {  	[sflag:s0] =	ssyncadd.tile.s32 @!p0 $0x1;
	_ =	shalt  }
.Lfunc_end2:
_tile_overlayer_lowered:
.L_overlay_start_2:
0x5d: {  	(tag) =	ssettag $0x2  }
0x5e: {  	s0 =	rddreg [dreg:$0x0];
	s2 =	stileid.u32  }
0x5f: {  	s1 =	rddreg [dreg:$0x1];
	p0 =	sne.s32 s2, $0x0  }
0x60: {  	s3 =	rddreg [dreg:$0x2];
	[bflag:$0x3] =	sbarrier.arrive $0xFFFF;
	s2 =	simm.s32 @!p0 $0x1C02  }
0x61: {  	[timem:s3], [sflag:s2] =	dma.local @!p0 [hbm:s0], s1  }
0x62: {  	s0 =	simm.s32 @!p0 $0x2  }
0x63: {  	_ =	swait.ge @!p0 [sflag:s0], s1  }
0x64: {  	s1 =	ssub.s32 @!p0 $0x0, s1;
	[sflag:s0] =	ssyncset.done @!p0 $0x0  }
0x65: {  	[sflag:s0] =	ssyncadd.s32 @!p0 s1  }
0x66: {  	[bflag:$0x3] =	sbarrier.arrive $0xFFFF  }
0x67: {  	_ =	shalt  }

// kernel: kernel.8.cloned.1.call-start
scs
__scs_entry_jumppad:
0x0: {  	(pc) =	sbr.rel $0x88, $3  }
0x1: {  	(tag) =	ssettag $0x0;
	lr =	simm.s32 $0x1  }
0x2: {  	[smem:$0x3F9B] =	sst lr;
	_ =	strace $0xD0000000  }
0x3: {  	_ = 	snop  }
0x4: {  	_ = 	snop  }
0x5: {  	_ = 	snop  }
0x6: {  	_ = 	snop  }
0x7: {  	_ = 	snop  }
__scs_overlays_trampoline_lowered:
0x8: {  	[smem:$0x3FAA] =	sst s0  }
0x9: {  	[smem:$0x3FAB] =	sst s1  }
0xa: {  	[smem:$0x3FAC] =	sst s2  }
0xb: {  	[smem:$0x3FAD] =	sst s3  }
0xc: {  	[smem:$0x3FAE] =	sst s4  }
0xd: {  	[smem:$0x3FAF] =	sst s5  }
0xe: {  	[smem:$0x3FB0] =	sst s6  }
0xf: {  	[smem:$0x3FB1] =	sst s7  }
0x10: {  	[smem:$0x3FB2] =	sst s8  }
0x11: {  	[smem:$0x3FB3] =	sst s9;
	s0 =	simm.s32 @!p0 $0x0  }
0x12: {  	s1 =	sld [smem:$0x3F99];
	s0 =	simm.s32 @p0 $0x1  }
0x13: {  	[smem:$0x3FB4] =	sst s0;
	s0 =	simm.s32 @!p1 $0x0  }
0x14: {  	s2 =	sld [smem:$0x3F98];
	s0 =	simm.s32 @p1 $0x1  }
0x15: {  	[smem:$0x3FB5] =	sst s0;
	s0 =	simm.s32 @!p2 $0x0  }
0x16: {  	s3 =	sld [smem:$0x3FDB];
	s0 =	simm.s32 @p2 $0x1  }
0x17: {  	s4 =	simm.s32 $0x1BF5;
	[smem:$0x3FB7] =	sst s0  }
0x18: {  	s0 =	sld [smem:$0x3F9A];
	_ =	swait.ge [sflag:s4], $0x0  }
0x19: {  	s7 =	sld [smem:$0x3F9B]  }
0x1a: {  	s8 =	sadd.s32 $0xFFFFE003, lr  }
0x1b: {  	s9 =	sadd.s32 $0xFFFFFEF7, lr;
	s5 =	simm.s32 $0xFFFFFFFF;
	p2 =	slt.u32 s8, $0xFFFFF086  }
0x1c: {  	p1 =	slt.u32 s9, $0xF7A;
	s5 =	simm.s32 @!p2 $0x0  }
0x1d: {  	s5 =	simm.s32 @p1 $0x1;
	p0 =	seq.s32 s7, s2  }
0x1e: {  	s7 =	smul.u32 @!p0 $0xF7A, s2;
	p2 =	seq.s32 @!p0 s5, $0x0  }
0x1f: {  	s9 =	smul.u32 $0xF7A, s1;
	s8 =	simm.s32 @!p0 $0x1BF5;
	p2 =	por !p2, p0  }
0x20: {  	[sflag:s8] =	ssyncset.s32 @!p0 $0xFFFFF086;
	s6 =	sadd.s32 @!p0 s3, s7;
	s7 =	simm.s32 @!p0 $0x108  }
0x21: {  	s3 =	sadd.s32 s3, s9;
	s6 =	sadd.s32 @!p0 $0x88, s6;
	s7 =	simm.s32 @p2 $0x1082  }
0x22: {  	[simem:s7], [sflag:s8] =	dma.local @!p0 [hbm:s6], $0xF7A  }
0x23: {  	s9 =	sor.u32 $0xD0000000, s2;
	s6 =	simm.s32 $0x108;
	_ =	swait.ge @!p0 [sflag:s8], $0x0  }
0x24: {  	s3 =	sadd.s32 $0x88, s3;
	s6 =	simm.s32 @!p1 $0x1082;
	[sflag:s4] =	ssyncset.s32 $0xFFFFF086  }
0x25: {  	[simem:s6], [sflag:s4] =	dma.local [hbm:s3], $0xF7A  }
0x26: {  	[smem:$0x3F9B] =	sst s1;
	(tag) =	ssettag s2;
	_ =	strace s9  }
0x27: {  	s1 =	sld [smem:$0x3FAB]  }
0x28: {  	s2 =	sld [smem:$0x3FAC]  }
0x29: {  	s4 =	sld [smem:$0x3FAE]  }
0x2a: {  	p0 =	seq.s32 s5, $0x0;
	s5 =	sld [smem:$0x3FAF]  }
0x2b: {  	s6 =	sld [smem:$0x3FB0]  }
0x2c: {  	s7 =	sld [smem:$0x3FB1]  }
0x2d: {  	s3 =	simm.s32 $0x108;
	s8 =	sld [smem:$0x3FB2]  }
0x2e: {  	s3 =	simm.s32 @!p0 $0x1082;
	s9 =	sld [smem:$0x3FB3]  }
0x2f: {  	lr =	sadd.s32 s0, s3;
	s0 =	sld [smem:$0x3FAA]  }
0x30: {  	s3 =	sld [smem:$0x3FAD]  }
0x31: {  	[smem:$0x3FB6] =	sst s10  }
0x32: {  	s10 =	sld [smem:$0x3FB4];
	_ =	sdelay $0x3  }
0x33: {  	p0 =	seq.s32 s10, $0x1;
	s10 =	sld [smem:$0x3FB6];
	_ =	sdelay $0x3  }
0x34: {  	[smem:$0x3FB6] =	sst s10  }
0x35: {  	s10 =	sld [smem:$0x3FB5];
	_ =	sdelay $0x3  }
0x36: {  	p1 =	seq.s32 s10, $0x1;
	s10 =	sld [smem:$0x3FB6];
	_ =	sdelay $0x3  }
0x37: {  	[smem:$0x3FB6] =	sst s10  }
0x38: {  	s10 =	sld [smem:$0x3FB7]  }
0x39: {  	_ = 	snop;
	(pc) =	sbr.ind lr, $3  }
0x3a: {  	_ = 	snop  }
0x3b: {  	_ = 	snop  }
0x3c: {  	p2 =	seq.s32 s10, $0x1;
	s10 =	sld [smem:$0x3FB6]  }
0x3d: {  	_ =	shalt  }
0x3e: {  	_ =	shalt  }
0x3f: {  	_ =	shalt  }
0x40: {  	_ =	shalt  }
0x41: {  	_ =	shalt  }
0x42: {  	_ =	shalt  }
0x43: {  	_ =	shalt  }
0x44: {  	_ =	shalt  }
0x45: {  	_ =	shalt  }
0x46: {  	_ =	shalt  }
0x47: {  	_ =	shalt  }
0x48: {  	_ =	shalt  }
0x49: {  	_ =	shalt  }
0x4a: {  	_ =	shalt  }
0x4b: {  	_ =	shalt  }
0x4c: {  	_ =	shalt  }
0x4d: {  	_ =	shalt  }
0x4e: {  	_ =	shalt  }
0x4f: {  	_ =	shalt  }
0x50: {  	_ =	shalt  }
0x51: {  	_ =	shalt  }
0x52: {  	_ =	shalt  }
0x53: {  	_ =	shalt  }
0x54: {  	_ =	shalt  }
0x55: {  	_ =	shalt  }
0x56: {  	_ =	shalt  }
0x57: {  	_ =	shalt  }
0x58: {  	_ =	shalt  }
0x59: {  	_ =	shalt  }
0x5a: {  	_ =	shalt  }
0x5b: {  	_ =	shalt  }
0x5c: {  	_ =	shalt  }
0x5d: {  	_ =	shalt  }
0x5e: {  	_ =	shalt  }
0x5f: {  	_ =	shalt  }
0x60: {  	_ =	shalt  }
0x61: {  	_ =	shalt  }
0x62: {  	_ =	shalt  }
0x63: {  	_ =	shalt  }
0x64: {  	_ =	shalt  }
0x65: {  	_ =	shalt  }
0x66: {  	_ =	shalt  }
0x67: {  	_ =	shalt  }
0x68: {  	_ =	shalt  }
0x69: {  	_ =	shalt  }
0x6a: {  	_ =	shalt  }
0x6b: {  	_ =	shalt  }
0x6c: {  	_ =	shalt  }
0x6d: {  	_ =	shalt  }
0x6e: {  	_ =	shalt  }
0x6f: {  	_ =	shalt  }
0x70: {  	_ =	shalt  }
0x71: {  	_ =	shalt  }
0x72: {  	_ =	shalt  }
0x73: {  	_ =	shalt  }
0x74: {  	_ =	shalt  }
0x75: {  	_ =	shalt  }
0x76: {  	_ =	shalt  }
0x77: {  	_ =	shalt  }
0x78: {  	_ =	shalt  }
0x79: {  	_ =	shalt  }
0x7a: {  	_ =	shalt  }
0x7b: {  	_ =	shalt  }
0x7c: {  	_ =	shalt  }
0x7d: {  	_ =	shalt  }
0x7e: {  	_ =	shalt  }
0x7f: {  	_ =	shalt  }
0x80: {  	_ =	shalt  }
0x81: {  	_ =	shalt  }
0x82: {  	_ =	shalt  }
0x83: {  	_ =	shalt  }
0x84: {  	_ =	shalt  }
0x85: {  	_ =	shalt  }
0x86: {  	_ =	shalt  }
0x87: {  	_ =	shalt  }
.Lfunc_end0:
.L_simem_size_0:
called_computation_lowered:
.L_overlay_start_0:
0x88: {  	s2 =	sld [smem:$0x3FD9]  }
0x89: {  	s3 =	sld [smem:$0x3FFE];
	_ =	sdelay $0x1  }
0x8a: {  	s1 =	srdreg.scid  }
0x8b: {  	s0 =	sand.u32 $0x1, s1  }
0x8c: {  	s16 =	sshll.u32 s0, $0xA;
	s2 =	sadd.s32 s3, s2  }
0x8d: {  	s2 =	sadd.s32 s2, s16  }
0x8e: {  	[smem:$0x3FC2] =	sst s2  }
0x8f: {  	_ = 	snop  }
0x90: {  	(tm) =	ssettm $0x1  }
0x91: {  	s17 =	sld [smem:$0x3FFB];
	_ =	sdelay $0x3  }
0x92: {  	_ =	strace s17  }
0x93: {  	s2 =	sld [smem:$0x3FFC];
	_ =	sdelay $0x3  }
0x94: {  	_ =	strace s2  }
0x95: {  	s2 =	sld [smem:$0x3FFD];
	_ =	sdelay $0x3  }
0x96: {  	_ =	strace s2  }
0x97: {  	_ =	strace $0x8FFFFFFF  }
0x98: {  	s18 =	sld [smem:$0x3FDB];
	_ =	sdelay $0x1  }
0x99: {  	s19 =	simm.s32 $_scs_section_size  }
0x9a: {  	s4 =	simm.s32 $_size__tile_overlayer_lowered;
	s5 =	simm.s32 $_tile_overlayer_lowered  }
0x9b: {  	s22 =	simm.s32 $0x1BFF;
	s21 =	sshll.u32 s5, $0x1;
	s2 =	sadd.s32 s19, s18  }
0x9c: {  	s6 =	simm.s32 $0x0;
	s20 =	sshll.u32 s4, $0x1;
	s4 =	sadd.s32 s21, s2  }
0x9d: {  	[timem:s6], [sflag:s22] =	dma.local [hbm:s4], s20  }
0x9e: {  	_ =	swait.ge [sflag:s22], s20  }
0x9f: {  	s3 =	ssub.s32 $0x0, s20;
	[sflag:s22] =	ssyncset.done $0x0  }
0xa0: {  	[sflag:s22] =	ssyncadd.s32 s3;
	_ =	sdelay $0x1  }
0xa1: {  	s23 =	simm.s32 $0x1B8B  }
0xa2: {  	_ =	swait.ge [sflag:s23], $0x1  }
0xa3: {  	[sflag:s23] =	ssyncset.done $0x0  }
0xa4: {  	s25 =	simm.s32 $0x1B8E;
	s24 =	sld [smem:$0x3FFE];
	[sflag:s23] =	ssyncadd.s32 $0xFFFFFFFF  }
0xa5: {  	s26 =	simm.s32 $execute0_lowered;
	[smem:$0x3FD2] =	sst s25  }
0xa6: {  	s4 =	sshll.u32 s26, $0x1;
	_ =	strace $0x80000046;
	[dreg:$0x1] =	wrdreg $0xFFFFFFFF  }
0xa7: {  	s28 =	simm.s32 $_size_execute0_lowered;
	s2 =	sadd.s32 s2, s4;
	[dreg:$0x0] =	wrdreg $0x0  }
0xa8: {  	s4 =	sshll.u32 s28, $0x1;
	[dreg:$0x2] =	wrdreg s2  }
0xa9: {  	[dreg:$0x3] =	wrdreg s4  }
0xaa: {  	[dreg:$0x4] =	wrdreg $0xC0  }
0xab: {  	_ =	task [dreg:s6], $0x5FFFF  }
0xac: {  	[dreg:$0x1] =	wrdreg $0xFFFFFFFF  }
0xad: {  	[dreg:$0x0] =	wrdreg $0x60  }
0xae: {  	[dreg:$0x2] =	wrdreg s24  }
0xaf: {  	[dreg:$0x3] =	wrdreg $0x9  }
0xb0: {  	_ =	task.clear_ibuf [dreg:s6], $0x4FFFF;
	_ =	strace $0x90000046  }
0xb1: {  	s29 =	simm.s32 $0x9;
	_ =	strace $0x80000048  }
0xb2: {  	_ =	swait.ge [sflag:s29], $0x1  }
0xb3: {  	[sflag:s29] =	ssyncadd.s32 $0xFFFFFFFF  }
0xb4: {  	_ =	strace $0x90000048  }
0xb5: {  	_ =	sfence  }
0xb6: {  	s30 =	sld [smem:$0x0];
	_ =	sdelay $0x2  }
0xb7: {  	s31 =	sshll.u32 s1, $0xD;
	s1 =	sshrl.u32 s1, $0x2  }
0xb8: {  	s3 =	sand.u32 $0x4000, s31;
	s1 =	sadd.s32 s1, s30  }
0xb9: {  	s0 =	sor.u32 s3, s0;
	s1 =	sshll.u32 s1, $0x11  }
0xba: {  	s0 =	sor.u32 s1, s0  }
0xbb: {  	s0 =	sadd.s32 $0x8F2B, s0  }
0xbc: {  	[sflag:s0] =	ssyncadd.remote.s32 $0x1  }
0xbd: {  	_ =	sfence.sel $0xFFFF  }
0xbe: {  	[dreg:$0x0] =	wrdreg $0xFFFFFFFF;
	(pc) =	sbr.abs _section_cstart, $3  }
0xbf: {  	[dreg:$0x1] =	wrdreg $0xFFFFFFFF  }
0xc0: {  	_ =	task.clear_ibuf [dreg:s6], $0x2FFFF;
	_ =	strace $0x9FFFFFFF  }
0xc1: {  	(tm) =	ssettm $0x7FFFFFFF  }
tec
execute0_lowered:
.L_overlay_start_1:
0x0: {  	(tag) =	ssettag $0x1  }
0x1: {  	s0 =	srdreg.scid  }
0x2: {  	s3 =	sand.u32 $0x1, s0  }
0x3: {  	s4 =	rddreg [dreg:$0x0];
	s0 =	stileid.u32;
	s1 =	sshll.u32 s3, $0x4  }
0x4: {  	s2 =	simm.s32 $0x0;
	s8 =	simm.s32 $0x0;
	s5 =	sor.u32 s0, s1  }
0x5: {  	[smem:$0x7FF] =	sst s2;
	s3 =	ssub.s32 $0x2, s3;
	s6 =	smul.u32 $0x4E8, s5  }
0x6: {  	s1 =	rddreg [dreg:$0x1];
	s7 =	sshrl.u32 s3, $0x1;
	s5 =	smul.u32 $0x2800, s5  }
0x7: {  	_ =	strace $0x80000047;
	s31 =	ssub.s32 s3, s7;
	s7 =	simm.s32 $0x2780  }
0x8: {  	s6 =	sadd.s32 s6, s4;
	s4 =	sadd.s32 s5, s4;
	s5 =	smax.u32 s31, $0x1  }
0x9: {  	v0 =	vimm.f32 $0.0e+00;
	v1 =	vimm.f32 $1.000000000e+00;
	s3 =	sadd.s32 $0x1A00, s6;
	s4 =	sadd.s32 $0xB800, s4;
	s6 =	simm.s32 $0x1  }
.LBB2_1:
0xa: {  	s9 =	simm.s32 $0x200;
	s10 =	simm.s32 $0x0  }
.LBB2_2:
0xb: {  	p0 =	sne.s32 s9, $0x4FE00;
	[tilespmem:s10+$0x2780] =	vst v0;
	s10 =	smov.u32 s9;
	s9 =	sadd.s32 $0x200, s9  }
.Ltmp0:
0xc: {  	(pc) =	sbr.rel @p0 .LBB2_2-.Ltmp0, $2  }
0xd: {  	_ =	sdelay $0x2  }
0xe: {  	s10 =	sshra.s32 s10, $0x2  }
0xf: {  	[tilespmem:s10+$0x2780] =	vst v0;
	s9 =	simm.s32 $0x0  }
0x10: {  	[tilespmem:s9], [sflag:$0x1] =	stream.linear.gather [hbm4b:s3+s9], $0x2740, $0x38;
	[tilespmem:$0x16780] =	vst v63  }
0x11: {  	_ =	swait.ge [sflag:s6], $0x2740  }
0x12: {  	[sflag:s6] =	ssyncset.done $0x0  }
0x13: {  	s10 =	simm.s32 $0x0;
	s9 =	simm.s32 $0x40;
	[sflag:s6] =	ssyncadd.s32 $0xFFFFD8C0  }
.LBB2_4:
0x14: {  	p0 =	sne.s32 s9, $0x9CC0;
	v2 =	vld [tilespmem:s10+$0x0];
	_ =	sdelay $0x4  }
0x15: {  	v3 =	vshll.u32 v2, $0x3  }
0x16: {  	v2 =	vand.u32 $0xF, v2;
	v3 =	vand.u32 $0xFFFFFF80, v3  }
0x17: {  	v2 =	vor.u32 v2, v3  }
.Ltmp1:
0x18: {  	(pc) =	sbr.rel @p0 .LBB2_4-.Ltmp1, $2  }
0x19: {  	_ =	sdelay $0x2  }
0x1a: {  	s10 =	sshra.s32 s9, $0x2;
	s9 =	sadd.s32 $0x40, s9;
	[tilespmem:v2+s7+$0x0] =	vst.idx.add.f32.msk $0xffff, v1  }
0x1b: {  	v2 =	vld [tilespmem:s10+$0x0];
	_ =	sdelay $0x4  }
0x1c: {  	v3 =	vshll.u32 v2, $0x3  }
0x1d: {  	v2 =	vand.u32 $0xF, v2;
	v3 =	vand.u32 $0xFFFFFF80, v3  }
0x1e: {  	v2 =	vor.u32 v2, v3;
	_ =	sdelay $0x2  }
0x1f: {  	s8 =	sadd.s32 $0x1, s8  }
0x20: {  	p0 =	sne.s32 s8, s5  }
.Ltmp2:
0x21: {  	[tilespmem:v2+s7+$0x0] =	vst.idx.add.f32.msk $0xffff, v1;
	(pc) =	sbr.rel @p0 .LBB2_1-.Ltmp2, $4  }
0x22: {  	[hbm4b:s4+s2] =	stream.linear.scatter [tilespmem:s7], [sflag:$0x1], $0x14000, $0x38;
	[tilespmem:$0x16780] =	vst v63  }
0x23: {  	_ =	swait.ge [sflag:s6], $0x14000  }
0x24: {  	[sflag:s6] =	ssyncset.done $0x0  }
0x25: {  	[sflag:s6] =	ssyncadd.s32 $0xFFFEC000  }
0x26: {  	_ =	sfence.sel $0x180000  }
0x27: {  	[bflag:$0x0] =	sbarrier.arrive $0xFFFF  }
0x28: {  	p0 =	sne.s32 s0, $0x0;
	_ =	strace $0x90000047  }
0x29: {  	s0 =	sadd.s32 @!p0 $0x100000, s1;
	[bflag:$0x2] =	sbarrier.arrive $0xFFFF  }
0x2a: {  	[sflag:s0] =	ssyncadd.tile.s32 @!p0 $0x1;
	_ =	shalt  }
.Lfunc_end2:
_tile_overlayer_lowered:
.L_overlay_start_2:
0x2b: {  	(tag) =	ssettag $0x2  }
0x2c: {  	s0 =	rddreg [dreg:$0x0];
	s2 =	stileid.u32  }
0x2d: {  	s1 =	rddreg [dreg:$0x1];
	p0 =	sne.s32 s2, $0x0  }
0x2e: {  	s3 =	rddreg [dreg:$0x2];
	[bflag:$0x3] =	sbarrier.arrive $0xFFFF;
	s2 =	simm.s32 @!p0 $0x1C01  }
0x2f: {  	[timem:s3], [sflag:s2] =	dma.local @!p0 [hbm:s0], s1  }
0x30: {  	s0 =	simm.s32 @!p0 $0x1  }
0x31: {  	_ =	swait.ge @!p0 [sflag:s0], s1  }
0x32: {  	s1 =	ssub.s32 @!p0 $0x0, s1;
	[sflag:s0] =	ssyncset.done @!p0 $0x0  }
0x33: {  	[sflag:s0] =	ssyncadd.s32 @!p0 s1  }
0x34: {  	[bflag:$0x3] =	sbarrier.arrive $0xFFFF  }
0x35: {  	_ =	shalt  }

</sc_bundles>
